<compile_context>
chip_gen: v7x
topology: tpu7x:2x2x1
jax: 0.10.2.dev20260603
libtpu: 0.0.44.dev20260713+nightly
codegen_flags: <defaults>
</compile_context>

<pallas_src>
import jax
import jax.numpy as jnp
from jax import lax
from jax.experimental import pallas as pl
from jax.experimental.pallas import tpu as pltpu
from jax.experimental.pallas import tpu_sc as plsc

NUM_ROWS = 100000
EMBED_K = 64
BATCH = 16384

_INFO = plsc.get_sparse_core_info()
_NC, _NS, _L = _INFO.num_cores, _INFO.num_subcores, _INFO.num_lanes
_KPT = EMBED_K // (_NC * _NS)
_STRIP = 8192
_UNROLL = 8


def _mf_col_body(xt_hbm, wt_hbm, ht_hbm, part_hbm, col_v, wa_v, idx_v, sem):
    c = lax.axis_index("c")
    s = lax.axis_index("s")

    for kk in range(_KPT):
        k = c * (EMBED_K // _NC) + s * _KPT + kk

        pltpu.sync_copy(wt_hbm.at[k], col_v)
        for st in range(BATCH // _STRIP):
            pltpu.sync_copy(xt_hbm.at[0, pl.ds(st * _STRIP, _STRIP)], idx_v)

            @plsc.parallel_loop(0, _STRIP // _L, unroll=_UNROLL)
            def wbody(j):
                off = j * _L
                u = idx_v[pl.ds(off, _L)]
                wa_v[pl.ds(st * _STRIP + off, _L)] = plsc.load_gather(
                    col_v, [u])

        pltpu.sync_copy(ht_hbm.at[k], col_v)
        for st in range(BATCH // _STRIP):
            pltpu.sync_copy(xt_hbm.at[1, pl.ds(st * _STRIP, _STRIP)], idx_v)

            @plsc.parallel_loop(0, _STRIP // _L, unroll=_UNROLL)
            def hbody(j):
                off = j * _L
                base = st * _STRIP + off
                v = idx_v[pl.ds(off, _L)]
                hv = plsc.load_gather(col_v, [v])
                wa_v[pl.ds(base, _L)] = wa_v[pl.ds(base, _L)] * hv

        pltpu.sync_copy(wa_v, part_hbm.at[k])


def _combine_body(p_ref, o_ref):
    o_ref[...] = jnp.sum(p_ref[...], axis=0)


@jax.jit
def kernel(x, W, H):
    xt = x.astype(jnp.int32).T
    wt = W.T
    ht = H.T

    mf = pl.kernel(
        _mf_col_body,
        out_type=jax.ShapeDtypeStruct((EMBED_K, BATCH), jnp.float32),
        mesh=plsc.VectorSubcoreMesh(core_axis_name="c", subcore_axis_name="s"),
        scratch_types=[
            pltpu.VMEM((NUM_ROWS,), jnp.float32),
            pltpu.VMEM((BATCH,), jnp.float32),
            pltpu.VMEM((_STRIP,), jnp.int32),
            pltpu.SemaphoreType.DMA,
        ],
        compiler_params=pltpu.CompilerParams(
            needs_layout_passes=False, use_tc_tiling_on_sc=True),
    )
    part = mf(xt, wt, ht)

    out = pl.pallas_call(
        _combine_body,
        out_shape=jax.ShapeDtypeStruct((BATCH,), jnp.float32),
    )(part)
    return out

# --- scband reference (transcript-rebuilt; emitter-appended) ---
"""Pipeline reference for scband-mf-dr-4750233829557 (READ-ONLY COPY).

The authoritative reference and input builder live on the scoring server;
editing this copy changes nothing except your own understanding.
"""

import jax, jax.numpy as jnp
import numpy as np

NUM_USERS = 100000
NUM_ITEMS = 100000
EMBED_K = 64
BATCH = 16384

def setup_inputs(seed: int = 0) -> dict:
    key = jax.random.key(seed)
    k1, k2, k3 = jax.random.split(key, 3)
    x = jax.random.randint(k1, (BATCH, 2), 0, NUM_USERS, dtype=jnp.int64) if jax.config.jax_enable_x64 else jax.random.randint(k1, (BATCH, 2), 0, NUM_USERS, dtype=jnp.int32)
    W = jax.random.normal(k2, (NUM_USERS, EMBED_K), dtype=jnp.float32)
    H = jax.random.normal(k3, (NUM_ITEMS, EMBED_K), dtype=jnp.float32)
    return {"x": x, "W": W, "H": H}

def reference(x, W, H):
    user_idx = x[:, 0]
    item_idx = x[:, 1]
    U_emb = jnp.take(W, user_idx, axis=0)
    V_emb = jnp.take(H, item_idx, axis=0)
    out = jnp.sum(U_emb * V_emb, axis=1)
    return out

if __name__ == "__main__":
    import jax
    _d = setup_inputs()
    print(jax.jit(kernel)(*tuple(_d.values())))

</pallas_src>

<mosaic_0001>
#map = affine_map<(d0, d1) -> (0, 0)>
module attributes {stable_mosaic.version = 14 : i64} {
  func.func @_mf_col_body(%arg0: i32, %arg1: i32, %arg2: memref<2x16384xi32, #tpu.memory_space<hbm>>, %arg3: memref<64x100000xf32, #tpu.memory_space<hbm>>, %arg4: memref<64x100000xf32, #tpu.memory_space<hbm>>, %arg5: memref<64x16384xf32, #tpu.memory_space<hbm>>, %arg6: memref<100000xf32, #tpu.memory_space<vmem>>, %arg7: memref<16384xf32, #tpu.memory_space<vmem>>, %arg8: memref<8192xi32, #tpu.memory_space<vmem>>, %arg9: memref<!tpu.dma_semaphore, #tpu.memory_space<semaphore_mem>>) attributes {dimension_semantics = [#tpu.dimension_semantics<core_parallel>, #tpu.dimension_semantics<subcore_parallel>], iteration_bounds = array<i64: 2, 16>, scalar_prefetch = 0 : i64, scratch_operands = 4 : i64, tpu.core_type = #tpu.core_type<sc_vector_subcore>, window_params = [{transform_indices = #map}, {transform_indices = #map}, {transform_indices = #map}, {transform_indices = #map}]} {
    %mul3A = arith.constant 32 : i32
    %mul3A_0 = arith.muli %arg0, %mul3A : i32
    %mul3A_1 = arith.constant 2 : i32
    %mul3A_2 = arith.muli %arg1, %mul3A_1 : i32
    %add3A = arith.addi %mul3A_0, %mul3A_2 : i32
    %add3A_3 = arith.constant 0 : i32
    %add3A_4 = arith.addi %add3A, %add3A_3 : i32
    "tpu.region"() ({
      %run_scoped3A_42 = tpu.sem_alloc : memref<!tpu.dma_semaphore, #tpu.memory_space<semaphore_mem>>
      %dma_start3A = arith.constant 0 : i32
      %dma_start3A_43 = tpu.memref_slice %arg3[%add3A_4, %dma_start3A] : memref<64x100000xf32, #tpu.memory_space<hbm>> -> memref<1x100000xf32, #tpu.memory_space<hbm>>
      %dma_start3A_44 = tpu.memref_squeeze %dma_start3A_43 : memref<1x100000xf32, #tpu.memory_space<hbm>> -> memref<100000xf32, #tpu.memory_space<hbm>>
      %dma_start3A_45 = arith.constant 0 : i32
      %dma_start3A_46 = tpu.memref_slice %arg3[%add3A_4, %dma_start3A_45] : memref<64x100000xf32, #tpu.memory_space<hbm>> -> memref<1x100000xf32, #tpu.memory_space<hbm>>
      %dma_start3A_47 = tpu.memref_squeeze %dma_start3A_46 : memref<1x100000xf32, #tpu.memory_space<hbm>> -> memref<100000xf32, #tpu.memory_space<hbm>>
      tpu.enqueue_dma source(%dma_start3A_47 : memref<100000xf32, #tpu.memory_space<hbm>>) target(%arg6 : memref<100000xf32, #tpu.memory_space<vmem>>) target_semaphore(%run_scoped3A_42 : memref<!tpu.dma_semaphore, #tpu.memory_space<semaphore_mem>>)
      %dma_wait3A = arith.constant 0 : i32
      %dma_wait3A_48 = tpu.memref_slice %arg3[%add3A_4, %dma_wait3A] : memref<64x100000xf32, #tpu.memory_space<hbm>> -> memref<1x100000xf32, #tpu.memory_space<hbm>>
      %dma_wait3A_49 = tpu.memref_squeeze %dma_wait3A_48 : memref<1x100000xf32, #tpu.memory_space<hbm>> -> memref<100000xf32, #tpu.memory_space<hbm>>
      %dma_wait3A_50 = arith.constant 0 : i32
      %dma_wait3A_51 = tpu.memref_slice %arg3[%add3A_4, %dma_wait3A_50] : memref<64x100000xf32, #tpu.memory_space<hbm>> -> memref<1x100000xf32, #tpu.memory_space<hbm>>
      %dma_wait3A_52 = tpu.memref_squeeze %dma_wait3A_51 : memref<1x100000xf32, #tpu.memory_space<hbm>> -> memref<100000xf32, #tpu.memory_space<hbm>>
      tpu.wait_dma2 semaphore(%run_scoped3A_42 : memref<!tpu.dma_semaphore, #tpu.memory_space<semaphore_mem>>) src(%dma_wait3A_52 : memref<100000xf32, #tpu.memory_space<hbm>>) dst(%arg6 : memref<100000xf32, #tpu.memory_space<vmem>>)
      tpu.yield
    }) : () -> ()
    %run_scoped3A = arith.constant 0 : i32
    "tpu.region"() ({
      %run_scoped3A_42 = tpu.sem_alloc : memref<!tpu.dma_semaphore, #tpu.memory_space<semaphore_mem>>
      %dma_start3A = arith.constant 0 : i32
      %dma_start3A_43 = tpu.memref_slice %arg2[%run_scoped3A, %dma_start3A] : memref<2x16384xi32, #tpu.memory_space<hbm>> -> memref<1x8192xi32, #tpu.memory_space<hbm>>
      %dma_start3A_44 = tpu.memref_squeeze %dma_start3A_43 : memref<1x8192xi32, #tpu.memory_space<hbm>> -> memref<8192xi32, #tpu.memory_space<hbm>>
      %dma_start3A_45 = arith.constant 0 : i32
      %dma_start3A_46 = tpu.memref_slice %arg2[%run_scoped3A, %dma_start3A_45] : memref<2x16384xi32, #tpu.memory_space<hbm>> -> memref<1x8192xi32, #tpu.memory_space<hbm>>
      %dma_start3A_47 = tpu.memref_squeeze %dma_start3A_46 : memref<1x8192xi32, #tpu.memory_space<hbm>> -> memref<8192xi32, #tpu.memory_space<hbm>>
      tpu.enqueue_dma source(%dma_start3A_47 : memref<8192xi32, #tpu.memory_space<hbm>>) target(%arg8 : memref<8192xi32, #tpu.memory_space<vmem>>) target_semaphore(%run_scoped3A_42 : memref<!tpu.dma_semaphore, #tpu.memory_space<semaphore_mem>>)
      %dma_wait3A = arith.constant 0 : i32
      %dma_wait3A_48 = tpu.memref_slice %arg2[%run_scoped3A, %dma_wait3A] : memref<2x16384xi32, #tpu.memory_space<hbm>> -> memref<1x8192xi32, #tpu.memory_space<hbm>>
      %dma_wait3A_49 = tpu.memref_squeeze %dma_wait3A_48 : memref<1x8192xi32, #tpu.memory_space<hbm>> -> memref<8192xi32, #tpu.memory_space<hbm>>
      %dma_wait3A_50 = arith.constant 0 : i32
      %dma_wait3A_51 = tpu.memref_slice %arg2[%run_scoped3A, %dma_wait3A_50] : memref<2x16384xi32, #tpu.memory_space<hbm>> -> memref<1x8192xi32, #tpu.memory_space<hbm>>
      %dma_wait3A_52 = tpu.memref_squeeze %dma_wait3A_51 : memref<1x8192xi32, #tpu.memory_space<hbm>> -> memref<8192xi32, #tpu.memory_space<hbm>>
      tpu.wait_dma2 semaphore(%run_scoped3A_42 : memref<!tpu.dma_semaphore, #tpu.memory_space<semaphore_mem>>) src(%dma_wait3A_52 : memref<8192xi32, #tpu.memory_space<hbm>>) dst(%arg8 : memref<8192xi32, #tpu.memory_space<vmem>>)
      tpu.yield
    }) : () -> ()
    %parallel_loop3A = arith.constant 0 : i32
    %parallel_loop3A_5 = arith.constant 512 : i32
    %parallel_loop3A_6 = arith.constant 1 : i32
    scf.for %parallel_loop3A_42 = %parallel_loop3A to %parallel_loop3A_5 step %parallel_loop3A_6  : i32 {
      %parallel_loop3A_43 = arith.constant 16 : i32
      %parallel_loop3A_44 = arith.muli %parallel_loop3A_42, %parallel_loop3A_43 : i32
      %parallel_loop3A_45 = arith.index_cast %parallel_loop3A_44 : i32 to index
      %parallel_loop3A_46 = tpu.vector_load %arg8[%parallel_loop3A_45] {strides = array<i32>} : memref<8192xi32, #tpu.memory_space<vmem>>, vector<16xi32>,
      %parallel_loop3A_47 = tpu.vector_load_idx %arg6[%parallel_loop3A_46] : memref<100000xf32, #tpu.memory_space<vmem>>[vector<16xi32>], vector<16xf32>,
      %parallel_loop3A_48 = arith.constant 0 : i32
      %parallel_loop3A_49 = arith.addi %parallel_loop3A_48, %parallel_loop3A_44 : i32
      %parallel_loop3A_50 = arith.index_cast %parallel_loop3A_49 : i32 to index
      %parallel_loop3A_51 = tpu.vector_load %arg7[%parallel_loop3A_50] {strides = array<i32>} : memref<16384xf32, #tpu.memory_space<vmem>>, vector<16xf32>,
      tpu.vector_store %arg7[%parallel_loop3A_50], %parallel_loop3A_47 {strides = array<i32>} : memref<16384xf32, #tpu.memory_space<vmem>>, vector<16xf32>,
    } {sc.loop_unroll_factor = 8 : i64, sc.parallel_access}
    %run_scoped3A_7 = arith.constant 0 : i32
    "tpu.region"() ({
      %run_scoped3A_42 = tpu.sem_alloc : memref<!tpu.dma_semaphore, #tpu.memory_space<semaphore_mem>>
      %dma_start3A = arith.constant 8192 : i32
      %dma_start3A_43 = tpu.memref_slice %arg2[%run_scoped3A_7, %dma_start3A] : memref<2x16384xi32, #tpu.memory_space<hbm>> -> memref<1x8192xi32, #tpu.memory_space<hbm>>
      %dma_start3A_44 = tpu.memref_squeeze %dma_start3A_43 : memref<1x8192xi32, #tpu.memory_space<hbm>> -> memref<8192xi32, #tpu.memory_space<hbm>>
      %dma_start3A_45 = arith.constant 8192 : i32
      %dma_start3A_46 = tpu.memref_slice %arg2[%run_scoped3A_7, %dma_start3A_45] : memref<2x16384xi32, #tpu.memory_space<hbm>> -> memref<1x8192xi32, #tpu.memory_space<hbm>>
      %dma_start3A_47 = tpu.memref_squeeze %dma_start3A_46 : memref<1x8192xi32, #tpu.memory_space<hbm>> -> memref<8192xi32, #tpu.memory_space<hbm>>
      tpu.enqueue_dma source(%dma_start3A_47 : memref<8192xi32, #tpu.memory_space<hbm>>) target(%arg8 : memref<8192xi32, #tpu.memory_space<vmem>>) target_semaphore(%run_scoped3A_42 : memref<!tpu.dma_semaphore, #tpu.memory_space<semaphore_mem>>)
      %dma_wait3A = arith.constant 8192 : i32
      %dma_wait3A_48 = tpu.memref_slice %arg2[%run_scoped3A_7, %dma_wait3A] : memref<2x16384xi32, #tpu.memory_space<hbm>> -> memref<1x8192xi32, #tpu.memory_space<hbm>>
      %dma_wait3A_49 = tpu.memref_squeeze %dma_wait3A_48 : memref<1x8192xi32, #tpu.memory_space<hbm>> -> memref<8192xi32, #tpu.memory_space<hbm>>
      %dma_wait3A_50 = arith.constant 8192 : i32
      %dma_wait3A_51 = tpu.memref_slice %arg2[%run_scoped3A_7, %dma_wait3A_50] : memref<2x16384xi32, #tpu.memory_space<hbm>> -> memref<1x8192xi32, #tpu.memory_space<hbm>>
      %dma_wait3A_52 = tpu.memref_squeeze %dma_wait3A_51 : memref<1x8192xi32, #tpu.memory_space<hbm>> -> memref<8192xi32, #tpu.memory_space<hbm>>
      tpu.wait_dma2 semaphore(%run_scoped3A_42 : memref<!tpu.dma_semaphore, #tpu.memory_space<semaphore_mem>>) src(%dma_wait3A_52 : memref<8192xi32, #tpu.memory_space<hbm>>) dst(%arg8 : memref<8192xi32, #tpu.memory_space<vmem>>)
      tpu.yield
    }) : () -> ()
    %parallel_loop3A_8 = arith.constant 0 : i32
    %parallel_loop3A_9 = arith.constant 512 : i32
    %parallel_loop3A_10 = arith.constant 1 : i32
    scf.for %parallel_loop3A_42 = %parallel_loop3A_8 to %parallel_loop3A_9 step %parallel_loop3A_10  : i32 {
      %parallel_loop3A_43 = arith.constant 16 : i32
      %parallel_loop3A_44 = arith.muli %parallel_loop3A_42, %parallel_loop3A_43 : i32
      %parallel_loop3A_45 = arith.index_cast %parallel_loop3A_44 : i32 to index
      %parallel_loop3A_46 = tpu.vector_load %arg8[%parallel_loop3A_45] {strides = array<i32>} : memref<8192xi32, #tpu.memory_space<vmem>>, vector<16xi32>,
      %parallel_loop3A_47 = tpu.vector_load_idx %arg6[%parallel_loop3A_46] : memref<100000xf32, #tpu.memory_space<vmem>>[vector<16xi32>], vector<16xf32>,
      %parallel_loop3A_48 = arith.constant 8192 : i32
      %parallel_loop3A_49 = arith.addi %parallel_loop3A_48, %parallel_loop3A_44 : i32
      %parallel_loop3A_50 = arith.index_cast %parallel_loop3A_49 : i32 to index
      %parallel_loop3A_51 = tpu.vector_load %arg7[%parallel_loop3A_50] {strides = array<i32>} : memref<16384xf32, #tpu.memory_space<vmem>>, vector<16xf32>,
      tpu.vector_store %arg7[%parallel_loop3A_50], %parallel_loop3A_47 {strides = array<i32>} : memref<16384xf32, #tpu.memory_space<vmem>>, vector<16xf32>,
    } {sc.loop_unroll_factor = 8 : i64, sc.parallel_access}
    "tpu.region"() ({
      %run_scoped3A_42 = tpu.sem_alloc : memref<!tpu.dma_semaphore, #tpu.memory_space<semaphore_mem>>
      %dma_start3A = arith.constant 0 : i32
      %dma_start3A_43 = tpu.memref_slice %arg4[%add3A_4, %dma_start3A] : memref<64x100000xf32, #tpu.memory_space<hbm>> -> memref<1x100000xf32, #tpu.memory_space<hbm>>
      %dma_start3A_44 = tpu.memref_squeeze %dma_start3A_43 : memref<1x100000xf32, #tpu.memory_space<hbm>> -> memref<100000xf32, #tpu.memory_space<hbm>>
      %dma_start3A_45 = arith.constant 0 : i32
      %dma_start3A_46 = tpu.memref_slice %arg4[%add3A_4, %dma_start3A_45] : memref<64x100000xf32, #tpu.memory_space<hbm>> -> memref<1x100000xf32, #tpu.memory_space<hbm>>
      %dma_start3A_47 = tpu.memref_squeeze %dma_start3A_46 : memref<1x100000xf32, #tpu.memory_space<hbm>> -> memref<100000xf32, #tpu.memory_space<hbm>>
      tpu.enqueue_dma source(%dma_start3A_47 : memref<100000xf32, #tpu.memory_space<hbm>>) target(%arg6 : memref<100000xf32, #tpu.memory_space<vmem>>) target_semaphore(%run_scoped3A_42 : memref<!tpu.dma_semaphore, #tpu.memory_space<semaphore_mem>>)
      %dma_wait3A = arith.constant 0 : i32
      %dma_wait3A_48 = tpu.memref_slice %arg4[%add3A_4, %dma_wait3A] : memref<64x100000xf32, #tpu.memory_space<hbm>> -> memref<1x100000xf32, #tpu.memory_space<hbm>>
      %dma_wait3A_49 = tpu.memref_squeeze %dma_wait3A_48 : memref<1x100000xf32, #tpu.memory_space<hbm>> -> memref<100000xf32, #tpu.memory_space<hbm>>
      %dma_wait3A_50 = arith.constant 0 : i32
      %dma_wait3A_51 = tpu.memref_slice %arg4[%add3A_4, %dma_wait3A_50] : memref<64x100000xf32, #tpu.memory_space<hbm>> -> memref<1x100000xf32, #tpu.memory_space<hbm>>
      %dma_wait3A_52 = tpu.memref_squeeze %dma_wait3A_51 : memref<1x100000xf32, #tpu.memory_space<hbm>> -> memref<100000xf32, #tpu.memory_space<hbm>>
      tpu.wait_dma2 semaphore(%run_scoped3A_42 : memref<!tpu.dma_semaphore, #tpu.memory_space<semaphore_mem>>) src(%dma_wait3A_52 : memref<100000xf32, #tpu.memory_space<hbm>>) dst(%arg6 : memref<100000xf32, #tpu.memory_space<vmem>>)
      tpu.yield
    }) : () -> ()
    %run_scoped3A_11 = arith.constant 1 : i32
    "tpu.region"() ({
      %run_scoped3A_42 = tpu.sem_alloc : memref<!tpu.dma_semaphore, #tpu.memory_space<semaphore_mem>>
      %dma_start3A = arith.constant 0 : i32
      %dma_start3A_43 = tpu.memref_slice %arg2[%run_scoped3A_11, %dma_start3A] : memref<2x16384xi32, #tpu.memory_space<hbm>> -> memref<1x8192xi32, #tpu.memory_space<hbm>>
      %dma_start3A_44 = tpu.memref_squeeze %dma_start3A_43 : memref<1x8192xi32, #tpu.memory_space<hbm>> -> memref<8192xi32, #tpu.memory_space<hbm>>
      %dma_start3A_45 = arith.constant 0 : i32
      %dma_start3A_46 = tpu.memref_slice %arg2[%run_scoped3A_11, %dma_start3A_45] : memref<2x16384xi32, #tpu.memory_space<hbm>> -> memref<1x8192xi32, #tpu.memory_space<hbm>>
      %dma_start3A_47 = tpu.memref_squeeze %dma_start3A_46 : memref<1x8192xi32, #tpu.memory_space<hbm>> -> memref<8192xi32, #tpu.memory_space<hbm>>
      tpu.enqueue_dma source(%dma_start3A_47 : memref<8192xi32, #tpu.memory_space<hbm>>) target(%arg8 : memref<8192xi32, #tpu.memory_space<vmem>>) target_semaphore(%run_scoped3A_42 : memref<!tpu.dma_semaphore, #tpu.memory_space<semaphore_mem>>)
      %dma_wait3A = arith.constant 0 : i32
      %dma_wait3A_48 = tpu.memref_slice %arg2[%run_scoped3A_11, %dma_wait3A] : memref<2x16384xi32, #tpu.memory_space<hbm>> -> memref<1x8192xi32, #tpu.memory_space<hbm>>
      %dma_wait3A_49 = tpu.memref_squeeze %dma_wait3A_48 : memref<1x8192xi32, #tpu.memory_space<hbm>> -> memref<8192xi32, #tpu.memory_space<hbm>>
      %dma_wait3A_50 = arith.constant 0 : i32
      %dma_wait3A_51 = tpu.memref_slice %arg2[%run_scoped3A_11, %dma_wait3A_50] : memref<2x16384xi32, #tpu.memory_space<hbm>> -> memref<1x8192xi32, #tpu.memory_space<hbm>>
      %dma_wait3A_52 = tpu.memref_squeeze %dma_wait3A_51 : memref<1x8192xi32, #tpu.memory_space<hbm>> -> memref<8192xi32, #tpu.memory_space<hbm>>
      tpu.wait_dma2 semaphore(%run_scoped3A_42 : memref<!tpu.dma_semaphore, #tpu.memory_space<semaphore_mem>>) src(%dma_wait3A_52 : memref<8192xi32, #tpu.memory_space<hbm>>) dst(%arg8 : memref<8192xi32, #tpu.memory_space<vmem>>)
      tpu.yield
    }) : () -> ()
    %parallel_loop3A_12 = arith.constant 0 : i32
    %parallel_loop3A_13 = arith.constant 512 : i32
    %parallel_loop3A_14 = arith.constant 1 : i32
    scf.for %parallel_loop3A_42 = %parallel_loop3A_12 to %parallel_loop3A_13 step %parallel_loop3A_14  : i32 {
      %parallel_loop3A_43 = arith.constant 16 : i32
      %parallel_loop3A_44 = arith.muli %parallel_loop3A_42, %parallel_loop3A_43 : i32
      %parallel_loop3A_45 = arith.constant 0 : i32
      %parallel_loop3A_46 = arith.addi %parallel_loop3A_45, %parallel_loop3A_44 : i32
      %parallel_loop3A_47 = arith.index_cast %parallel_loop3A_44 : i32 to index
      %parallel_loop3A_48 = tpu.vector_load %arg8[%parallel_loop3A_47] {strides = array<i32>} : memref<8192xi32, #tpu.memory_space<vmem>>, vector<16xi32>,
      %parallel_loop3A_49 = tpu.vector_load_idx %arg6[%parallel_loop3A_48] : memref<100000xf32, #tpu.memory_space<vmem>>[vector<16xi32>], vector<16xf32>,
      %parallel_loop3A_50 = arith.index_cast %parallel_loop3A_46 : i32 to index
      %parallel_loop3A_51 = tpu.vector_load %arg7[%parallel_loop3A_50] {strides = array<i32>} : memref<16384xf32, #tpu.memory_space<vmem>>, vector<16xf32>,
      %parallel_loop3A_52 = arith.mulf %parallel_loop3A_51, %parallel_loop3A_49 : vector<16xf32>
      %parallel_loop3A_53 = arith.index_cast %parallel_loop3A_46 : i32 to index
      %parallel_loop3A_54 = tpu.vector_load %arg7[%parallel_loop3A_53] {strides = array<i32>} : memref<16384xf32, #tpu.memory_space<vmem>>, vector<16xf32>,
      tpu.vector_store %arg7[%parallel_loop3A_53], %parallel_loop3A_52 {strides = array<i32>} : memref<16384xf32, #tpu.memory_space<vmem>>, vector<16xf32>,
    } {sc.loop_unroll_factor = 8 : i64, sc.parallel_access}
    %run_scoped3A_15 = arith.constant 1 : i32
    "tpu.region"() ({
      %run_scoped3A_42 = tpu.sem_alloc : memref<!tpu.dma_semaphore, #tpu.memory_space<semaphore_mem>>
      %dma_start3A = arith.constant 8192 : i32
      %dma_start3A_43 = tpu.memref_slice %arg2[%run_scoped3A_15, %dma_start3A] : memref<2x16384xi32, #tpu.memory_space<hbm>> -> memref<1x8192xi32, #tpu.memory_space<hbm>>
      %dma_start3A_44 = tpu.memref_squeeze %dma_start3A_43 : memref<1x8192xi32, #tpu.memory_space<hbm>> -> memref<8192xi32, #tpu.memory_space<hbm>>
      %dma_start3A_45 = arith.constant 8192 : i32
      %dma_start3A_46 = tpu.memref_slice %arg2[%run_scoped3A_15, %dma_start3A_45] : memref<2x16384xi32, #tpu.memory_space<hbm>> -> memref<1x8192xi32, #tpu.memory_space<hbm>>
      %dma_start3A_47 = tpu.memref_squeeze %dma_start3A_46 : memref<1x8192xi32, #tpu.memory_space<hbm>> -> memref<8192xi32, #tpu.memory_space<hbm>>
      tpu.enqueue_dma source(%dma_start3A_47 : memref<8192xi32, #tpu.memory_space<hbm>>) target(%arg8 : memref<8192xi32, #tpu.memory_space<vmem>>) target_semaphore(%run_scoped3A_42 : memref<!tpu.dma_semaphore, #tpu.memory_space<semaphore_mem>>)
      %dma_wait3A = arith.constant 8192 : i32
      %dma_wait3A_48 = tpu.memref_slice %arg2[%run_scoped3A_15, %dma_wait3A] : memref<2x16384xi32, #tpu.memory_space<hbm>> -> memref<1x8192xi32, #tpu.memory_space<hbm>>
      %dma_wait3A_49 = tpu.memref_squeeze %dma_wait3A_48 : memref<1x8192xi32, #tpu.memory_space<hbm>> -> memref<8192xi32, #tpu.memory_space<hbm>>
      %dma_wait3A_50 = arith.constant 8192 : i32
      %dma_wait3A_51 = tpu.memref_slice %arg2[%run_scoped3A_15, %dma_wait3A_50] : memref<2x16384xi32, #tpu.memory_space<hbm>> -> memref<1x8192xi32, #tpu.memory_space<hbm>>
      %dma_wait3A_52 = tpu.memref_squeeze %dma_wait3A_51 : memref<1x8192xi32, #tpu.memory_space<hbm>> -> memref<8192xi32, #tpu.memory_space<hbm>>
      tpu.wait_dma2 semaphore(%run_scoped3A_42 : memref<!tpu.dma_semaphore, #tpu.memory_space<semaphore_mem>>) src(%dma_wait3A_52 : memref<8192xi32, #tpu.memory_space<hbm>>) dst(%arg8 : memref<8192xi32, #tpu.memory_space<vmem>>)
      tpu.yield
    }) : () -> ()
    %parallel_loop3A_16 = arith.constant 0 : i32
    %parallel_loop3A_17 = arith.constant 512 : i32
    %parallel_loop3A_18 = arith.constant 1 : i32
    scf.for %parallel_loop3A_42 = %parallel_loop3A_16 to %parallel_loop3A_17 step %parallel_loop3A_18  : i32 {
      %parallel_loop3A_43 = arith.constant 16 : i32
      %parallel_loop3A_44 = arith.muli %parallel_loop3A_42, %parallel_loop3A_43 : i32
      %parallel_loop3A_45 = arith.constant 8192 : i32
      %parallel_loop3A_46 = arith.addi %parallel_loop3A_45, %parallel_loop3A_44 : i32
      %parallel_loop3A_47 = arith.index_cast %parallel_loop3A_44 : i32 to index
      %parallel_loop3A_48 = tpu.vector_load %arg8[%parallel_loop3A_47] {strides = array<i32>} : memref<8192xi32, #tpu.memory_space<vmem>>, vector<16xi32>,
      %parallel_loop3A_49 = tpu.vector_load_idx %arg6[%parallel_loop3A_48] : memref<100000xf32, #tpu.memory_space<vmem>>[vector<16xi32>], vector<16xf32>,
      %parallel_loop3A_50 = arith.index_cast %parallel_loop3A_46 : i32 to index
      %parallel_loop3A_51 = tpu.vector_load %arg7[%parallel_loop3A_50] {strides = array<i32>} : memref<16384xf32, #tpu.memory_space<vmem>>, vector<16xf32>,
      %parallel_loop3A_52 = arith.mulf %parallel_loop3A_51, %parallel_loop3A_49 : vector<16xf32>
      %parallel_loop3A_53 = arith.index_cast %parallel_loop3A_46 : i32 to index
      %parallel_loop3A_54 = tpu.vector_load %arg7[%parallel_loop3A_53] {strides = array<i32>} : memref<16384xf32, #tpu.memory_space<vmem>>, vector<16xf32>,
      tpu.vector_store %arg7[%parallel_loop3A_53], %parallel_loop3A_52 {strides = array<i32>} : memref<16384xf32, #tpu.memory_space<vmem>>, vector<16xf32>,
    } {sc.loop_unroll_factor = 8 : i64, sc.parallel_access}
    "tpu.region"() ({
      %run_scoped3A_42 = tpu.sem_alloc : memref<!tpu.dma_semaphore, #tpu.memory_space<semaphore_mem>>
      %dma_start3A = arith.constant 0 : i32
      %dma_start3A_43 = tpu.memref_slice %arg5[%add3A_4, %dma_start3A] : memref<64x16384xf32, #tpu.memory_space<hbm>> -> memref<1x16384xf32, #tpu.memory_space<hbm>>
      %dma_start3A_44 = tpu.memref_squeeze %dma_start3A_43 : memref<1x16384xf32, #tpu.memory_space<hbm>> -> memref<16384xf32, #tpu.memory_space<hbm>>
      %dma_start3A_45 = arith.constant 0 : i32
      %dma_start3A_46 = tpu.memref_slice %arg5[%add3A_4, %dma_start3A_45] : memref<64x16384xf32, #tpu.memory_space<hbm>> -> memref<1x16384xf32, #tpu.memory_space<hbm>>
      %dma_start3A_47 = tpu.memref_squeeze %dma_start3A_46 : memref<1x16384xf32, #tpu.memory_space<hbm>> -> memref<16384xf32, #tpu.memory_space<hbm>>
      tpu.enqueue_dma source(%arg7 : memref<16384xf32, #tpu.memory_space<vmem>>) target(%dma_start3A_47 : memref<16384xf32, #tpu.memory_space<hbm>>) target_semaphore(%run_scoped3A_42 : memref<!tpu.dma_semaphore, #tpu.memory_space<semaphore_mem>>)
      %dma_wait3A = arith.constant 0 : i32
      %dma_wait3A_48 = tpu.memref_slice %arg5[%add3A_4, %dma_wait3A] : memref<64x16384xf32, #tpu.memory_space<hbm>> -> memref<1x16384xf32, #tpu.memory_space<hbm>>
      %dma_wait3A_49 = tpu.memref_squeeze %dma_wait3A_48 : memref<1x16384xf32, #tpu.memory_space<hbm>> -> memref<16384xf32, #tpu.memory_space<hbm>>
      %dma_wait3A_50 = arith.constant 0 : i32
      %dma_wait3A_51 = tpu.memref_slice %arg5[%add3A_4, %dma_wait3A_50] : memref<64x16384xf32, #tpu.memory_space<hbm>> -> memref<1x16384xf32, #tpu.memory_space<hbm>>
      %dma_wait3A_52 = tpu.memref_squeeze %dma_wait3A_51 : memref<1x16384xf32, #tpu.memory_space<hbm>> -> memref<16384xf32, #tpu.memory_space<hbm>>
      tpu.wait_dma2 semaphore(%run_scoped3A_42 : memref<!tpu.dma_semaphore, #tpu.memory_space<semaphore_mem>>) src(%arg7 : memref<16384xf32, #tpu.memory_space<vmem>>) dst(%dma_wait3A_52 : memref<16384xf32, #tpu.memory_space<hbm>>)
      tpu.yield
    }) : () -> ()
    %mul3A_19 = arith.constant 32 : i32
    %mul3A_20 = arith.muli %arg0, %mul3A_19 : i32
    %mul3A_21 = arith.constant 2 : i32
    %mul3A_22 = arith.muli %arg1, %mul3A_21 : i32
    %add3A_23 = arith.addi %mul3A_20, %mul3A_22 : i32
    %add3A_24 = arith.constant 1 : i32
    %add3A_25 = arith.addi %add3A_23, %add3A_24 : i32
    "tpu.region"() ({
      %run_scoped3A_42 = tpu.sem_alloc : memref<!tpu.dma_semaphore, #tpu.memory_space<semaphore_mem>>
      %dma_start3A = arith.constant 0 : i32
      %dma_start3A_43 = tpu.memref_slice %arg3[%add3A_25, %dma_start3A] : memref<64x100000xf32, #tpu.memory_space<hbm>> -> memref<1x100000xf32, #tpu.memory_space<hbm>>
      %dma_start3A_44 = tpu.memref_squeeze %dma_start3A_43 : memref<1x100000xf32, #tpu.memory_space<hbm>> -> memref<100000xf32, #tpu.memory_space<hbm>>
      %dma_start3A_45 = arith.constant 0 : i32
      %dma_start3A_46 = tpu.memref_slice %arg3[%add3A_25, %dma_start3A_45] : memref<64x100000xf32, #tpu.memory_space<hbm>> -> memref<1x100000xf32, #tpu.memory_space<hbm>>
      %dma_start3A_47 = tpu.memref_squeeze %dma_start3A_46 : memref<1x100000xf32, #tpu.memory_space<hbm>> -> memref<100000xf32, #tpu.memory_space<hbm>>
      tpu.enqueue_dma source(%dma_start3A_47 : memref<100000xf32, #tpu.memory_space<hbm>>) target(%arg6 : memref<100000xf32, #tpu.memory_space<vmem>>) target_semaphore(%run_scoped3A_42 : memref<!tpu.dma_semaphore, #tpu.memory_space<semaphore_mem>>)
      %dma_wait3A = arith.constant 0 : i32
      %dma_wait3A_48 = tpu.memref_slice %arg3[%add3A_25, %dma_wait3A] : memref<64x100000xf32, #tpu.memory_space<hbm>> -> memref<1x100000xf32, #tpu.memory_space<hbm>>
      %dma_wait3A_49 = tpu.memref_squeeze %dma_wait3A_48 : memref<1x100000xf32, #tpu.memory_space<hbm>> -> memref<100000xf32, #tpu.memory_space<hbm>>
      %dma_wait3A_50 = arith.constant 0 : i32
      %dma_wait3A_51 = tpu.memref_slice %arg3[%add3A_25, %dma_wait3A_50] : memref<64x100000xf32, #tpu.memory_space<hbm>> -> memref<1x100000xf32, #tpu.memory_space<hbm>>
      %dma_wait3A_52 = tpu.memref_squeeze %dma_wait3A_51 : memref<1x100000xf32, #tpu.memory_space<hbm>> -> memref<100000xf32, #tpu.memory_space<hbm>>
      tpu.wait_dma2 semaphore(%run_scoped3A_42 : memref<!tpu.dma_semaphore, #tpu.memory_space<semaphore_mem>>) src(%dma_wait3A_52 : memref<100000xf32, #tpu.memory_space<hbm>>) dst(%arg6 : memref<100000xf32, #tpu.memory_space<vmem>>)
      tpu.yield
    }) : () -> ()
    %run_scoped3A_26 = arith.constant 0 : i32
    "tpu.region"() ({
      %run_scoped3A_42 = tpu.sem_alloc : memref<!tpu.dma_semaphore, #tpu.memory_space<semaphore_mem>>
      %dma_start3A = arith.constant 0 : i32
      %dma_start3A_43 = tpu.memref_slice %arg2[%run_scoped3A_26, %dma_start3A] : memref<2x16384xi32, #tpu.memory_space<hbm>> -> memref<1x8192xi32, #tpu.memory_space<hbm>>
      %dma_start3A_44 = tpu.memref_squeeze %dma_start3A_43 : memref<1x8192xi32, #tpu.memory_space<hbm>> -> memref<8192xi32, #tpu.memory_space<hbm>>
      %dma_start3A_45 = arith.constant 0 : i32
      %dma_start3A_46 = tpu.memref_slice %arg2[%run_scoped3A_26, %dma_start3A_45] : memref<2x16384xi32, #tpu.memory_space<hbm>> -> memref<1x8192xi32, #tpu.memory_space<hbm>>
      %dma_start3A_47 = tpu.memref_squeeze %dma_start3A_46 : memref<1x8192xi32, #tpu.memory_space<hbm>> -> memref<8192xi32, #tpu.memory_space<hbm>>
      tpu.enqueue_dma source(%dma_start3A_47 : memref<8192xi32, #tpu.memory_space<hbm>>) target(%arg8 : memref<8192xi32, #tpu.memory_space<vmem>>) target_semaphore(%run_scoped3A_42 : memref<!tpu.dma_semaphore, #tpu.memory_space<semaphore_mem>>)
      %dma_wait3A = arith.constant 0 : i32
      %dma_wait3A_48 = tpu.memref_slice %arg2[%run_scoped3A_26, %dma_wait3A] : memref<2x16384xi32, #tpu.memory_space<hbm>> -> memref<1x8192xi32, #tpu.memory_space<hbm>>
      %dma_wait3A_49 = tpu.memref_squeeze %dma_wait3A_48 : memref<1x8192xi32, #tpu.memory_space<hbm>> -> memref<8192xi32, #tpu.memory_space<hbm>>
      %dma_wait3A_50 = arith.constant 0 : i32
      %dma_wait3A_51 = tpu.memref_slice %arg2[%run_scoped3A_26, %dma_wait3A_50] : memref<2x16384xi32, #tpu.memory_space<hbm>> -> memref<1x8192xi32, #tpu.memory_space<hbm>>
      %dma_wait3A_52 = tpu.memref_squeeze %dma_wait3A_51 : memref<1x8192xi32, #tpu.memory_space<hbm>> -> memref<8192xi32, #tpu.memory_space<hbm>>
      tpu.wait_dma2 semaphore(%run_scoped3A_42 : memref<!tpu.dma_semaphore, #tpu.memory_space<semaphore_mem>>) src(%dma_wait3A_52 : memref<8192xi32, #tpu.memory_space<hbm>>) dst(%arg8 : memref<8192xi32, #tpu.memory_space<vmem>>)
      tpu.yield
    }) : () -> ()
    %parallel_loop3A_27 = arith.constant 0 : i32
    %parallel_loop3A_28 = arith.constant 512 : i32
    %parallel_loop3A_29 = arith.constant 1 : i32
    scf.for %parallel_loop3A_42 = %parallel_loop3A_27 to %parallel_loop3A_28 step %parallel_loop3A_29  : i32 {
      %parallel_loop3A_43 = arith.constant 16 : i32
      %parallel_loop3A_44 = arith.muli %parallel_loop3A_42, %parallel_loop3A_43 : i32
      %parallel_loop3A_45 = arith.index_cast %parallel_loop3A_44 : i32 to index
      %parallel_loop3A_46 = tpu.vector_load %arg8[%parallel_loop3A_45] {strides = array<i32>} : memref<8192xi32, #tpu.memory_space<vmem>>, vector<16xi32>,
      %parallel_loop3A_47 = tpu.vector_load_idx %arg6[%parallel_loop3A_46] : memref<100000xf32, #tpu.memory_space<vmem>>[vector<16xi32>], vector<16xf32>,
      %parallel_loop3A_48 = arith.constant 0 : i32
      %parallel_loop3A_49 = arith.addi %parallel_loop3A_48, %parallel_loop3A_44 : i32
      %parallel_loop3A_50 = arith.index_cast %parallel_loop3A_49 : i32 to index
      %parallel_loop3A_51 = tpu.vector_load %arg7[%parallel_loop3A_50] {strides = array<i32>} : memref<16384xf32, #tpu.memory_space<vmem>>, vector<16xf32>,
      tpu.vector_store %arg7[%parallel_loop3A_50], %parallel_loop3A_47 {strides = array<i32>} : memref<16384xf32, #tpu.memory_space<vmem>>, vector<16xf32>,
    } {sc.loop_unroll_factor = 8 : i64, sc.parallel_access}
    %run_scoped3A_30 = arith.constant 0 : i32
    "tpu.region"() ({
      %run_scoped3A_42 = tpu.sem_alloc : memref<!tpu.dma_semaphore, #tpu.memory_space<semaphore_mem>>
      %dma_start3A = arith.constant 8192 : i32
      %dma_start3A_43 = tpu.memref_slice %arg2[%run_scoped3A_30, %dma_start3A] : memref<2x16384xi32, #tpu.memory_space<hbm>> -> memref<1x8192xi32, #tpu.memory_space<hbm>>
      %dma_start3A_44 = tpu.memref_squeeze %dma_start3A_43 : memref<1x8192xi32, #tpu.memory_space<hbm>> -> memref<8192xi32, #tpu.memory_space<hbm>>
      %dma_start3A_45 = arith.constant 8192 : i32
      %dma_start3A_46 = tpu.memref_slice %arg2[%run_scoped3A_30, %dma_start3A_45] : memref<2x16384xi32, #tpu.memory_space<hbm>> -> memref<1x8192xi32, #tpu.memory_space<hbm>>
      %dma_start3A_47 = tpu.memref_squeeze %dma_start3A_46 : memref<1x8192xi32, #tpu.memory_space<hbm>> -> memref<8192xi32, #tpu.memory_space<hbm>>
      tpu.enqueue_dma source(%dma_start3A_47 : memref<8192xi32, #tpu.memory_space<hbm>>) target(%arg8 : memref<8192xi32, #tpu.memory_space<vmem>>) target_semaphore(%run_scoped3A_42 : memref<!tpu.dma_semaphore, #tpu.memory_space<semaphore_mem>>)
      %dma_wait3A = arith.constant 8192 : i32
      %dma_wait3A_48 = tpu.memref_slice %arg2[%run_scoped3A_30, %dma_wait3A] : memref<2x16384xi32, #tpu.memory_space<hbm>> -> memref<1x8192xi32, #tpu.memory_space<hbm>>
      %dma_wait3A_49 = tpu.memref_squeeze %dma_wait3A_48 : memref<1x8192xi32, #tpu.memory_space<hbm>> -> memref<8192xi32, #tpu.memory_space<hbm>>
      %dma_wait3A_50 = arith.constant 8192 : i32
      %dma_wait3A_51 = tpu.memref_slice %arg2[%run_scoped3A_30, %dma_wait3A_50] : memref<2x16384xi32, #tpu.memory_space<hbm>> -> memref<1x8192xi32, #tpu.memory_space<hbm>>
      %dma_wait3A_52 = tpu.memref_squeeze %dma_wait3A_51 : memref<1x8192xi32, #tpu.memory_space<hbm>> -> memref<8192xi32, #tpu.memory_space<hbm>>
      tpu.wait_dma2 semaphore(%run_scoped3A_42 : memref<!tpu.dma_semaphore, #tpu.memory_space<semaphore_mem>>) src(%dma_wait3A_52 : memref<8192xi32, #tpu.memory_space<hbm>>) dst(%arg8 : memref<8192xi32, #tpu.memory_space<vmem>>)
      tpu.yield
    }) : () -> ()
    %parallel_loop3A_31 = arith.constant 0 : i32
    %parallel_loop3A_32 = arith.constant 512 : i32
    %parallel_loop3A_33 = arith.constant 1 : i32
    scf.for %parallel_loop3A_42 = %parallel_loop3A_31 to %parallel_loop3A_32 step %parallel_loop3A_33  : i32 {
      %parallel_loop3A_43 = arith.constant 16 : i32
      %parallel_loop3A_44 = arith.muli %parallel_loop3A_42, %parallel_loop3A_43 : i32
      %parallel_loop3A_45 = arith.index_cast %parallel_loop3A_44 : i32 to index
      %parallel_loop3A_46 = tpu.vector_load %arg8[%parallel_loop3A_45] {strides = array<i32>} : memref<8192xi32, #tpu.memory_space<vmem>>, vector<16xi32>,
      %parallel_loop3A_47 = tpu.vector_load_idx %arg6[%parallel_loop3A_46] : memref<100000xf32, #tpu.memory_space<vmem>>[vector<16xi32>], vector<16xf32>,
      %parallel_loop3A_48 = arith.constant 8192 : i32
      %parallel_loop3A_49 = arith.addi %parallel_loop3A_48, %parallel_loop3A_44 : i32
      %parallel_loop3A_50 = arith.index_cast %parallel_loop3A_49 : i32 to index
      %parallel_loop3A_51 = tpu.vector_load %arg7[%parallel_loop3A_50] {strides = array<i32>} : memref<16384xf32, #tpu.memory_space<vmem>>, vector<16xf32>,
      tpu.vector_store %arg7[%parallel_loop3A_50], %parallel_loop3A_47 {strides = array<i32>} : memref<16384xf32, #tpu.memory_space<vmem>>, vector<16xf32>,
    } {sc.loop_unroll_factor = 8 : i64, sc.parallel_access}
    "tpu.region"() ({
      %run_scoped3A_42 = tpu.sem_alloc : memref<!tpu.dma_semaphore, #tpu.memory_space<semaphore_mem>>
      %dma_start3A = arith.constant 0 : i32
      %dma_start3A_43 = tpu.memref_slice %arg4[%add3A_25, %dma_start3A] : memref<64x100000xf32, #tpu.memory_space<hbm>> -> memref<1x100000xf32, #tpu.memory_space<hbm>>
      %dma_start3A_44 = tpu.memref_squeeze %dma_start3A_43 : memref<1x100000xf32, #tpu.memory_space<hbm>> -> memref<100000xf32, #tpu.memory_space<hbm>>
      %dma_start3A_45 = arith.constant 0 : i32
      %dma_start3A_46 = tpu.memref_slice %arg4[%add3A_25, %dma_start3A_45] : memref<64x100000xf32, #tpu.memory_space<hbm>> -> memref<1x100000xf32, #tpu.memory_space<hbm>>
      %dma_start3A_47 = tpu.memref_squeeze %dma_start3A_46 : memref<1x100000xf32, #tpu.memory_space<hbm>> -> memref<100000xf32, #tpu.memory_space<hbm>>
      tpu.enqueue_dma source(%dma_start3A_47 : memref<100000xf32, #tpu.memory_space<hbm>>) target(%arg6 : memref<100000xf32, #tpu.memory_space<vmem>>) target_semaphore(%run_scoped3A_42 : memref<!tpu.dma_semaphore, #tpu.memory_space<semaphore_mem>>)
      %dma_wait3A = arith.constant 0 : i32
      %dma_wait3A_48 = tpu.memref_slice %arg4[%add3A_25, %dma_wait3A] : memref<64x100000xf32, #tpu.memory_space<hbm>> -> memref<1x100000xf32, #tpu.memory_space<hbm>>
      %dma_wait3A_49 = tpu.memref_squeeze %dma_wait3A_48 : memref<1x100000xf32, #tpu.memory_space<hbm>> -> memref<100000xf32, #tpu.memory_space<hbm>>
      %dma_wait3A_50 = arith.constant 0 : i32
      %dma_wait3A_51 = tpu.memref_slice %arg4[%add3A_25, %dma_wait3A_50] : memref<64x100000xf32, #tpu.memory_space<hbm>> -> memref<1x100000xf32, #tpu.memory_space<hbm>>
      %dma_wait3A_52 = tpu.memref_squeeze %dma_wait3A_51 : memref<1x100000xf32, #tpu.memory_space<hbm>> -> memref<100000xf32, #tpu.memory_space<hbm>>
      tpu.wait_dma2 semaphore(%run_scoped3A_42 : memref<!tpu.dma_semaphore, #tpu.memory_space<semaphore_mem>>) src(%dma_wait3A_52 : memref<100000xf32, #tpu.memory_space<hbm>>) dst(%arg6 : memref<100000xf32, #tpu.memory_space<vmem>>)
      tpu.yield
    }) : () -> ()
    %run_scoped3A_34 = arith.constant 1 : i32
    "tpu.region"() ({
      %run_scoped3A_42 = tpu.sem_alloc : memref<!tpu.dma_semaphore, #tpu.memory_space<semaphore_mem>>
      %dma_start3A = arith.constant 0 : i32
      %dma_start3A_43 = tpu.memref_slice %arg2[%run_scoped3A_34, %dma_start3A] : memref<2x16384xi32, #tpu.memory_space<hbm>> -> memref<1x8192xi32, #tpu.memory_space<hbm>>
      %dma_start3A_44 = tpu.memref_squeeze %dma_start3A_43 : memref<1x8192xi32, #tpu.memory_space<hbm>> -> memref<8192xi32, #tpu.memory_space<hbm>>
      %dma_start3A_45 = arith.constant 0 : i32
      %dma_start3A_46 = tpu.memref_slice %arg2[%run_scoped3A_34, %dma_start3A_45] : memref<2x16384xi32, #tpu.memory_space<hbm>> -> memref<1x8192xi32, #tpu.memory_space<hbm>>
      %dma_start3A_47 = tpu.memref_squeeze %dma_start3A_46 : memref<1x8192xi32, #tpu.memory_space<hbm>> -> memref<8192xi32, #tpu.memory_space<hbm>>
      tpu.enqueue_dma source(%dma_start3A_47 : memref<8192xi32, #tpu.memory_space<hbm>>) target(%arg8 : memref<8192xi32, #tpu.memory_space<vmem>>) target_semaphore(%run_scoped3A_42 : memref<!tpu.dma_semaphore, #tpu.memory_space<semaphore_mem>>)
      %dma_wait3A = arith.constant 0 : i32
      %dma_wait3A_48 = tpu.memref_slice %arg2[%run_scoped3A_34, %dma_wait3A] : memref<2x16384xi32, #tpu.memory_space<hbm>> -> memref<1x8192xi32, #tpu.memory_space<hbm>>
      %dma_wait3A_49 = tpu.memref_squeeze %dma_wait3A_48 : memref<1x8192xi32, #tpu.memory_space<hbm>> -> memref<8192xi32, #tpu.memory_space<hbm>>
      %dma_wait3A_50 = arith.constant 0 : i32
      %dma_wait3A_51 = tpu.memref_slice %arg2[%run_scoped3A_34, %dma_wait3A_50] : memref<2x16384xi32, #tpu.memory_space<hbm>> -> memref<1x8192xi32, #tpu.memory_space<hbm>>
      %dma_wait3A_52 = tpu.memref_squeeze %dma_wait3A_51 : memref<1x8192xi32, #tpu.memory_space<hbm>> -> memref<8192xi32, #tpu.memory_space<hbm>>
      tpu.wait_dma2 semaphore(%run_scoped3A_42 : memref<!tpu.dma_semaphore, #tpu.memory_space<semaphore_mem>>) src(%dma_wait3A_52 : memref<8192xi32, #tpu.memory_space<hbm>>) dst(%arg8 : memref<8192xi32, #tpu.memory_space<vmem>>)
      tpu.yield
    }) : () -> ()
    %parallel_loop3A_35 = arith.constant 0 : i32
    %parallel_loop3A_36 = arith.constant 512 : i32
    %parallel_loop3A_37 = arith.constant 1 : i32
    scf.for %parallel_loop3A_42 = %parallel_loop3A_35 to %parallel_loop3A_36 step %parallel_loop3A_37  : i32 {
      %parallel_loop3A_43 = arith.constant 16 : i32
      %parallel_loop3A_44 = arith.muli %parallel_loop3A_42, %parallel_loop3A_43 : i32
      %parallel_loop3A_45 = arith.constant 0 : i32
      %parallel_loop3A_46 = arith.addi %parallel_loop3A_45, %parallel_loop3A_44 : i32
      %parallel_loop3A_47 = arith.index_cast %parallel_loop3A_44 : i32 to index
      %parallel_loop3A_48 = tpu.vector_load %arg8[%parallel_loop3A_47] {strides = array<i32>} : memref<8192xi32, #tpu.memory_space<vmem>>, vector<16xi32>,
      %parallel_loop3A_49 = tpu.vector_load_idx %arg6[%parallel_loop3A_48] : memref<100000xf32, #tpu.memory_space<vmem>>[vector<16xi32>], vector<16xf32>,
      %parallel_loop3A_50 = arith.index_cast %parallel_loop3A_46 : i32 to index
      %parallel_loop3A_51 = tpu.vector_load %arg7[%parallel_loop3A_50] {strides = array<i32>} : memref<16384xf32, #tpu.memory_space<vmem>>, vector<16xf32>,
      %parallel_loop3A_52 = arith.mulf %parallel_loop3A_51, %parallel_loop3A_49 : vector<16xf32>
      %parallel_loop3A_53 = arith.index_cast %parallel_loop3A_46 : i32 to index
      %parallel_loop3A_54 = tpu.vector_load %arg7[%parallel_loop3A_53] {strides = array<i32>} : memref<16384xf32, #tpu.memory_space<vmem>>, vector<16xf32>,
      tpu.vector_store %arg7[%parallel_loop3A_53], %parallel_loop3A_52 {strides = array<i32>} : memref<16384xf32, #tpu.memory_space<vmem>>, vector<16xf32>,
    } {sc.loop_unroll_factor = 8 : i64, sc.parallel_access}
    %run_scoped3A_38 = arith.constant 1 : i32
    "tpu.region"() ({
      %run_scoped3A_42 = tpu.sem_alloc : memref<!tpu.dma_semaphore, #tpu.memory_space<semaphore_mem>>
      %dma_start3A = arith.constant 8192 : i32
      %dma_start3A_43 = tpu.memref_slice %arg2[%run_scoped3A_38, %dma_start3A] : memref<2x16384xi32, #tpu.memory_space<hbm>> -> memref<1x8192xi32, #tpu.memory_space<hbm>>
      %dma_start3A_44 = tpu.memref_squeeze %dma_start3A_43 : memref<1x8192xi32, #tpu.memory_space<hbm>> -> memref<8192xi32, #tpu.memory_space<hbm>>
      %dma_start3A_45 = arith.constant 8192 : i32
      %dma_start3A_46 = tpu.memref_slice %arg2[%run_scoped3A_38, %dma_start3A_45] : memref<2x16384xi32, #tpu.memory_space<hbm>> -> memref<1x8192xi32, #tpu.memory_space<hbm>>
      %dma_start3A_47 = tpu.memref_squeeze %dma_start3A_46 : memref<1x8192xi32, #tpu.memory_space<hbm>> -> memref<8192xi32, #tpu.memory_space<hbm>>
      tpu.enqueue_dma source(%dma_start3A_47 : memref<8192xi32, #tpu.memory_space<hbm>>) target(%arg8 : memref<8192xi32, #tpu.memory_space<vmem>>) target_semaphore(%run_scoped3A_42 : memref<!tpu.dma_semaphore, #tpu.memory_space<semaphore_mem>>)
      %dma_wait3A = arith.constant 8192 : i32
      %dma_wait3A_48 = tpu.memref_slice %arg2[%run_scoped3A_38, %dma_wait3A] : memref<2x16384xi32, #tpu.memory_space<hbm>> -> memref<1x8192xi32, #tpu.memory_space<hbm>>
      %dma_wait3A_49 = tpu.memref_squeeze %dma_wait3A_48 : memref<1x8192xi32, #tpu.memory_space<hbm>> -> memref<8192xi32, #tpu.memory_space<hbm>>
      %dma_wait3A_50 = arith.constant 8192 : i32
      %dma_wait3A_51 = tpu.memref_slice %arg2[%run_scoped3A_38, %dma_wait3A_50] : memref<2x16384xi32, #tpu.memory_space<hbm>> -> memref<1x8192xi32, #tpu.memory_space<hbm>>
      %dma_wait3A_52 = tpu.memref_squeeze %dma_wait3A_51 : memref<1x8192xi32, #tpu.memory_space<hbm>> -> memref<8192xi32, #tpu.memory_space<hbm>>
      tpu.wait_dma2 semaphore(%run_scoped3A_42 : memref<!tpu.dma_semaphore, #tpu.memory_space<semaphore_mem>>) src(%dma_wait3A_52 : memref<8192xi32, #tpu.memory_space<hbm>>) dst(%arg8 : memref<8192xi32, #tpu.memory_space<vmem>>)
      tpu.yield
    }) : () -> ()
    %parallel_loop3A_39 = arith.constant 0 : i32
    %parallel_loop3A_40 = arith.constant 512 : i32
    %parallel_loop3A_41 = arith.constant 1 : i32
    scf.for %parallel_loop3A_42 = %parallel_loop3A_39 to %parallel_loop3A_40 step %parallel_loop3A_41  : i32 {
      %parallel_loop3A_43 = arith.constant 16 : i32
      %parallel_loop3A_44 = arith.muli %parallel_loop3A_42, %parallel_loop3A_43 : i32
      %parallel_loop3A_45 = arith.constant 8192 : i32
      %parallel_loop3A_46 = arith.addi %parallel_loop3A_45, %parallel_loop3A_44 : i32
      %parallel_loop3A_47 = arith.index_cast %parallel_loop3A_44 : i32 to index
      %parallel_loop3A_48 = tpu.vector_load %arg8[%parallel_loop3A_47] {strides = array<i32>} : memref<8192xi32, #tpu.memory_space<vmem>>, vector<16xi32>,
      %parallel_loop3A_49 = tpu.vector_load_idx %arg6[%parallel_loop3A_48] : memref<100000xf32, #tpu.memory_space<vmem>>[vector<16xi32>], vector<16xf32>,
      %parallel_loop3A_50 = arith.index_cast %parallel_loop3A_46 : i32 to index
      %parallel_loop3A_51 = tpu.vector_load %arg7[%parallel_loop3A_50] {strides = array<i32>} : memref<16384xf32, #tpu.memory_space<vmem>>, vector<16xf32>,
      %parallel_loop3A_52 = arith.mulf %parallel_loop3A_51, %parallel_loop3A_49 : vector<16xf32>
      %parallel_loop3A_53 = arith.index_cast %parallel_loop3A_46 : i32 to index
      %parallel_loop3A_54 = tpu.vector_load %arg7[%parallel_loop3A_53] {strides = array<i32>} : memref<16384xf32, #tpu.memory_space<vmem>>, vector<16xf32>,
      tpu.vector_store %arg7[%parallel_loop3A_53], %parallel_loop3A_52 {strides = array<i32>} : memref<16384xf32, #tpu.memory_space<vmem>>, vector<16xf32>,
    } {sc.loop_unroll_factor = 8 : i64, sc.parallel_access}
    "tpu.region"() ({
      %run_scoped3A_42 = tpu.sem_alloc : memref<!tpu.dma_semaphore, #tpu.memory_space<semaphore_mem>>
      %dma_start3A = arith.constant 0 : i32
      %dma_start3A_43 = tpu.memref_slice %arg5[%add3A_25, %dma_start3A] : memref<64x16384xf32, #tpu.memory_space<hbm>> -> memref<1x16384xf32, #tpu.memory_space<hbm>>
      %dma_start3A_44 = tpu.memref_squeeze %dma_start3A_43 : memref<1x16384xf32, #tpu.memory_space<hbm>> -> memref<16384xf32, #tpu.memory_space<hbm>>
      %dma_start3A_45 = arith.constant 0 : i32
      %dma_start3A_46 = tpu.memref_slice %arg5[%add3A_25, %dma_start3A_45] : memref<64x16384xf32, #tpu.memory_space<hbm>> -> memref<1x16384xf32, #tpu.memory_space<hbm>>
      %dma_start3A_47 = tpu.memref_squeeze %dma_start3A_46 : memref<1x16384xf32, #tpu.memory_space<hbm>> -> memref<16384xf32, #tpu.memory_space<hbm>>
      tpu.enqueue_dma source(%arg7 : memref<16384xf32, #tpu.memory_space<vmem>>) target(%dma_start3A_47 : memref<16384xf32, #tpu.memory_space<hbm>>) target_semaphore(%run_scoped3A_42 : memref<!tpu.dma_semaphore, #tpu.memory_space<semaphore_mem>>)
      %dma_wait3A = arith.constant 0 : i32
      %dma_wait3A_48 = tpu.memref_slice %arg5[%add3A_25, %dma_wait3A] : memref<64x16384xf32, #tpu.memory_space<hbm>> -> memref<1x16384xf32, #tpu.memory_space<hbm>>
      %dma_wait3A_49 = tpu.memref_squeeze %dma_wait3A_48 : memref<1x16384xf32, #tpu.memory_space<hbm>> -> memref<16384xf32, #tpu.memory_space<hbm>>
      %dma_wait3A_50 = arith.constant 0 : i32
      %dma_wait3A_51 = tpu.memref_slice %arg5[%add3A_25, %dma_wait3A_50] : memref<64x16384xf32, #tpu.memory_space<hbm>> -> memref<1x16384xf32, #tpu.memory_space<hbm>>
      %dma_wait3A_52 = tpu.memref_squeeze %dma_wait3A_51 : memref<1x16384xf32, #tpu.memory_space<hbm>> -> memref<16384xf32, #tpu.memory_space<hbm>>
      tpu.wait_dma2 semaphore(%run_scoped3A_42 : memref<!tpu.dma_semaphore, #tpu.memory_space<semaphore_mem>>) src(%arg7 : memref<16384xf32, #tpu.memory_space<vmem>>) dst(%dma_wait3A_52 : memref<16384xf32, #tpu.memory_space<hbm>>)
      tpu.yield
    }) : () -> ()
    return
  }
}

module attributes {stable_mosaic.version = 14 : i64} {
  func.func @_combine_body(%arg0: memref<64x16384xf32, #tpu.memory_space<vmem>>, %arg1: memref<16384xf32, #tpu.memory_space<vmem>>) attributes {dimension_semantics = [], scalar_prefetch = 0 : i64, scratch_operands = 0 : i64, tpu.core_type = #tpu.core_type<tc>} {
    %get3A = arith.constant 0 : index
    %get3A_0 = arith.constant 0 : index
    %get3A_1 = vector.load %arg0[%get3A, %get3A_0] : memref<64x16384xf32, #tpu.memory_space<vmem>>, vector<64x16384xf32>
    %reduce_sum3A = arith.constant dense<0.000000e+00> : vector<16384xf32>
    %reduce_sum3A_2 = vector.multi_reduction <add>, %get3A_1, %reduce_sum3A [0] : vector<64x16384xf32> to vector<16384xf32>
    %swap3A = arith.constant 0 : index
    %swap3A_3 = vector.load %arg1[%swap3A] : memref<16384xf32, #tpu.memory_space<vmem>>, vector<16384xf32>
    tpu.vector_store %arg1[%swap3A], %reduce_sum3A_2 {strides = array<i32>} : memref<16384xf32, #tpu.memory_space<vmem>>, vector<16384xf32>,
    return
  }
}

</mosaic_0001>

<sc_bundles>
// kernel: kernel.4.cloned.1.call-start
scs
__scs_entry_jumppad:
0x0: {  	(pc) =	sbr.rel $0x88, $3  }
0x1: {  	(tag) =	ssettag $0x0;
	lr =	simm.s32 $0x1  }
0x2: {  	[smem:$0x3F9E] =	sst lr;
	_ =	strace $0xD0000000  }
0x3: {  	_ = 	snop  }
0x4: {  	_ = 	snop  }
0x5: {  	_ = 	snop  }
0x6: {  	_ = 	snop  }
0x7: {  	_ = 	snop  }
__scs_overlays_trampoline_lowered:
0x8: {  	[smem:$0x3FAD] =	sst s0  }
0x9: {  	[smem:$0x3FAE] =	sst s1  }
0xa: {  	[smem:$0x3FAF] =	sst s2  }
0xb: {  	[smem:$0x3FB0] =	sst s3  }
0xc: {  	[smem:$0x3FB1] =	sst s4  }
0xd: {  	[smem:$0x3FB2] =	sst s5  }
0xe: {  	[smem:$0x3FB3] =	sst s6  }
0xf: {  	[smem:$0x3FB4] =	sst s7  }
0x10: {  	[smem:$0x3FB5] =	sst s8  }
0x11: {  	[smem:$0x3FB6] =	sst s9;
	s0 =	simm.s32 @!p0 $0x0  }
0x12: {  	s1 =	sld [smem:$0x3F9C];
	s0 =	simm.s32 @p0 $0x1  }
0x13: {  	[smem:$0x3FB7] =	sst s0;
	s0 =	simm.s32 @!p1 $0x0  }
0x14: {  	s2 =	sld [smem:$0x3F9B];
	s0 =	simm.s32 @p1 $0x1  }
0x15: {  	[smem:$0x3FB8] =	sst s0;
	s0 =	simm.s32 @!p2 $0x0  }
0x16: {  	s3 =	sld [smem:$0x3FDB];
	s0 =	simm.s32 @p2 $0x1  }
0x17: {  	s4 =	simm.s32 $0x1BF5;
	[smem:$0x3FBA] =	sst s0  }
0x18: {  	s0 =	sld [smem:$0x3F9D];
	_ =	swait.ge [sflag:s4], $0x0  }
0x19: {  	s7 =	sld [smem:$0x3F9E]  }
0x1a: {  	s8 =	sadd.s32 $0xFFFFE003, lr  }
0x1b: {  	s9 =	sadd.s32 $0xFFFFFEF7, lr;
	s5 =	simm.s32 $0xFFFFFFFF;
	p2 =	slt.u32 s8, $0xFFFFF086  }
0x1c: {  	p1 =	slt.u32 s9, $0xF7A;
	s5 =	simm.s32 @!p2 $0x0  }
0x1d: {  	s5 =	simm.s32 @p1 $0x1;
	p0 =	seq.s32 s7, s2  }
0x1e: {  	s7 =	smul.u32 @!p0 $0xF7A, s2;
	p2 =	seq.s32 @!p0 s5, $0x0  }
0x1f: {  	s9 =	smul.u32 $0xF7A, s1;
	s8 =	simm.s32 @!p0 $0x1BF5;
	p2 =	por !p2, p0  }
0x20: {  	[sflag:s8] =	ssyncset.s32 @!p0 $0xFFFFF086;
	s6 =	sadd.s32 @!p0 s3, s7;
	s7 =	simm.s32 @!p0 $0x108  }
0x21: {  	s3 =	sadd.s32 s3, s9;
	s6 =	sadd.s32 @!p0 $0x88, s6;
	s7 =	simm.s32 @p2 $0x1082  }
0x22: {  	[simem:s7], [sflag:s8] =	dma.local @!p0 [hbm:s6], $0xF7A  }
0x23: {  	s9 =	sor.u32 $0xD0000000, s2;
	s6 =	simm.s32 $0x108;
	_ =	swait.ge @!p0 [sflag:s8], $0x0  }
0x24: {  	s3 =	sadd.s32 $0x88, s3;
	s6 =	simm.s32 @!p1 $0x1082;
	[sflag:s4] =	ssyncset.s32 $0xFFFFF086  }
0x25: {  	[simem:s6], [sflag:s4] =	dma.local [hbm:s3], $0xF7A  }
0x26: {  	[smem:$0x3F9E] =	sst s1;
	(tag) =	ssettag s2;
	_ =	strace s9  }
0x27: {  	s1 =	sld [smem:$0x3FAE]  }
0x28: {  	s2 =	sld [smem:$0x3FAF]  }
0x29: {  	s4 =	sld [smem:$0x3FB1]  }
0x2a: {  	p0 =	seq.s32 s5, $0x0;
	s5 =	sld [smem:$0x3FB2]  }
0x2b: {  	s6 =	sld [smem:$0x3FB3]  }
0x2c: {  	s7 =	sld [smem:$0x3FB4]  }
0x2d: {  	s3 =	simm.s32 $0x108;
	s8 =	sld [smem:$0x3FB5]  }
0x2e: {  	s3 =	simm.s32 @!p0 $0x1082;
	s9 =	sld [smem:$0x3FB6]  }
0x2f: {  	lr =	sadd.s32 s0, s3;
	s0 =	sld [smem:$0x3FAD]  }
0x30: {  	s3 =	sld [smem:$0x3FB0]  }
0x31: {  	[smem:$0x3FB9] =	sst s10  }
0x32: {  	s10 =	sld [smem:$0x3FB7];
	_ =	sdelay $0x3  }
0x33: {  	p0 =	seq.s32 s10, $0x1;
	s10 =	sld [smem:$0x3FB9];
	_ =	sdelay $0x3  }
0x34: {  	[smem:$0x3FB9] =	sst s10  }
0x35: {  	s10 =	sld [smem:$0x3FB8];
	_ =	sdelay $0x3  }
0x36: {  	p1 =	seq.s32 s10, $0x1;
	s10 =	sld [smem:$0x3FB9];
	_ =	sdelay $0x3  }
0x37: {  	[smem:$0x3FB9] =	sst s10  }
0x38: {  	s10 =	sld [smem:$0x3FBA]  }
0x39: {  	_ = 	snop;
	(pc) =	sbr.ind lr, $3  }
0x3a: {  	_ = 	snop  }
0x3b: {  	_ = 	snop  }
0x3c: {  	p2 =	seq.s32 s10, $0x1;
	s10 =	sld [smem:$0x3FB9]  }
0x3d: {  	_ =	shalt  }
0x3e: {  	_ =	shalt  }
0x3f: {  	_ =	shalt  }
0x40: {  	_ =	shalt  }
0x41: {  	_ =	shalt  }
0x42: {  	_ =	shalt  }
0x43: {  	_ =	shalt  }
0x44: {  	_ =	shalt  }
0x45: {  	_ =	shalt  }
0x46: {  	_ =	shalt  }
0x47: {  	_ =	shalt  }
0x48: {  	_ =	shalt  }
0x49: {  	_ =	shalt  }
0x4a: {  	_ =	shalt  }
0x4b: {  	_ =	shalt  }
0x4c: {  	_ =	shalt  }
0x4d: {  	_ =	shalt  }
0x4e: {  	_ =	shalt  }
0x4f: {  	_ =	shalt  }
0x50: {  	_ =	shalt  }
0x51: {  	_ =	shalt  }
0x52: {  	_ =	shalt  }
0x53: {  	_ =	shalt  }
0x54: {  	_ =	shalt  }
0x55: {  	_ =	shalt  }
0x56: {  	_ =	shalt  }
0x57: {  	_ =	shalt  }
0x58: {  	_ =	shalt  }
0x59: {  	_ =	shalt  }
0x5a: {  	_ =	shalt  }
0x5b: {  	_ =	shalt  }
0x5c: {  	_ =	shalt  }
0x5d: {  	_ =	shalt  }
0x5e: {  	_ =	shalt  }
0x5f: {  	_ =	shalt  }
0x60: {  	_ =	shalt  }
0x61: {  	_ =	shalt  }
0x62: {  	_ =	shalt  }
0x63: {  	_ =	shalt  }
0x64: {  	_ =	shalt  }
0x65: {  	_ =	shalt  }
0x66: {  	_ =	shalt  }
0x67: {  	_ =	shalt  }
0x68: {  	_ =	shalt  }
0x69: {  	_ =	shalt  }
0x6a: {  	_ =	shalt  }
0x6b: {  	_ =	shalt  }
0x6c: {  	_ =	shalt  }
0x6d: {  	_ =	shalt  }
0x6e: {  	_ =	shalt  }
0x6f: {  	_ =	shalt  }
0x70: {  	_ =	shalt  }
0x71: {  	_ =	shalt  }
0x72: {  	_ =	shalt  }
0x73: {  	_ =	shalt  }
0x74: {  	_ =	shalt  }
0x75: {  	_ =	shalt  }
0x76: {  	_ =	shalt  }
0x77: {  	_ =	shalt  }
0x78: {  	_ =	shalt  }
0x79: {  	_ =	shalt  }
0x7a: {  	_ =	shalt  }
0x7b: {  	_ =	shalt  }
0x7c: {  	_ =	shalt  }
0x7d: {  	_ =	shalt  }
0x7e: {  	_ =	shalt  }
0x7f: {  	_ =	shalt  }
0x80: {  	_ =	shalt  }
0x81: {  	_ =	shalt  }
0x82: {  	_ =	shalt  }
0x83: {  	_ =	shalt  }
0x84: {  	_ =	shalt  }
0x85: {  	_ =	shalt  }
0x86: {  	_ =	shalt  }
0x87: {  	_ =	shalt  }
.Lfunc_end0:
.L_simem_size_0:
called_computation_lowered:
.L_overlay_start_0:
0x88: {  	s2 =	sld [smem:$0x3FD9]  }
0x89: {  	s3 =	sld [smem:$0x3FFE];
	_ =	sdelay $0x1  }
0x8a: {  	s1 =	srdreg.scid  }
0x8b: {  	s0 =	sand.u32 $0x1, s1  }
0x8c: {  	s17 =	sshll.u32 s0, $0xA;
	s2 =	sadd.s32 s3, s2  }
0x8d: {  	s2 =	sadd.s32 s2, s17  }
0x8e: {  	[smem:$0x3FC5] =	sst s2  }
0x8f: {  	_ = 	snop  }
0x90: {  	s2 =	sld [smem:$0x3FC9]  }
0x91: {  	s18 =	sld [smem:$0x3FC8]  }
0x92: {  	s4 =	sld [smem:$0x3FC7];
	(tm) =	ssettm $0x1  }
0x93: {  	s5 =	sld [smem:$0x3FFB];
	_ =	sdelay $0x3  }
0x94: {  	_ =	strace s5  }
0x95: {  	s5 =	sld [smem:$0x3FFC];
	_ =	sdelay $0x3  }
0x96: {  	_ =	strace s5  }
0x97: {  	s5 =	sld [smem:$0x3FFD];
	_ =	sdelay $0x3  }
0x98: {  	_ =	strace s5  }
0x99: {  	_ =	strace $0x8FFFFFFF  }
0x9a: {  	s19 =	sld [smem:$0x3FDB];
	_ =	sdelay $0x1  }
0x9b: {  	s6 =	simm.s32 $_scs_section_size  }
0x9c: {  	s7 =	simm.s32 $_size__tile_overlayer_lowered;
	s8 =	simm.s32 $_tile_overlayer_lowered  }
0x9d: {  	s22 =	simm.s32 $0x1BFF;
	s21 =	sshll.u32 s8, $0x1;
	s5 =	sadd.s32 s6, s19  }
0x9e: {  	s9 =	simm.s32 $0x0;
	s20 =	sshll.u32 s7, $0x1;
	s7 =	sadd.s32 s21, s5  }
0x9f: {  	[timem:s9], [sflag:s22] =	dma.local [hbm:s7], s20  }
0xa0: {  	_ =	swait.ge [sflag:s22], s20  }
0xa1: {  	s6 =	ssub.s32 $0x0, s20;
	[sflag:s22] =	ssyncset.done $0x0  }
0xa2: {  	[sflag:s22] =	ssyncadd.s32 s6;
	_ =	sdelay $0x1  }
0xa3: {  	s23 =	simm.s32 $0x1B8B  }
0xa4: {  	_ =	swait.ge [sflag:s23], $0x1  }
0xa5: {  	[sflag:s23] =	ssyncset.done $0x0  }
0xa6: {  	s25 =	simm.s32 $0x1B8E;
	s24 =	sld [smem:$0x3FFE];
	[sflag:s23] =	ssyncadd.s32 $0xFFFFFFFF  }
0xa7: {  	s26 =	simm.s32 $execute0_lowered;
	[smem:$0x3FD2] =	sst s25  }
0xa8: {  	s7 =	sshll.u32 s26, $0x1;
	_ =	strace $0x80000046;
	[dreg:$0x1] =	wrdreg $0xFFFFFFFF  }
0xa9: {  	s28 =	simm.s32 $_size_execute0_lowered;
	s5 =	sadd.s32 s5, s7;
	[dreg:$0x0] =	wrdreg $0x0  }
0xaa: {  	s7 =	sshll.u32 s28, $0x1;
	[dreg:$0x2] =	wrdreg s5  }
0xab: {  	[dreg:$0x3] =	wrdreg s7  }
0xac: {  	[dreg:$0x4] =	wrdreg $0xC0  }
0xad: {  	_ =	task [dreg:s9], $0x5FFFF  }
0xae: {  	[dreg:$0x1] =	wrdreg $0xFFFFFFFF  }
0xaf: {  	[dreg:$0x0] =	wrdreg $0x60  }
0xb0: {  	[dreg:$0x2] =	wrdreg s2  }
0xb1: {  	[dreg:$0x3] =	wrdreg s18  }
0xb2: {  	[dreg:$0x4] =	wrdreg s4  }
0xb3: {  	[dreg:$0x5] =	wrdreg s24  }
0xb4: {  	[dreg:$0x6] =	wrdreg $0x9  }
0xb5: {  	_ =	task.clear_ibuf [dreg:s9], $0x7FFFF;
	_ =	strace $0x90000046  }
0xb6: {  	s29 =	simm.s32 $0x9;
	_ =	strace $0x80000048  }
0xb7: {  	_ =	swait.ge [sflag:s29], $0x1  }
0xb8: {  	[sflag:s29] =	ssyncadd.s32 $0xFFFFFFFF  }
0xb9: {  	_ =	strace $0x90000048  }
0xba: {  	_ =	sfence  }
0xbb: {  	s30 =	sld [smem:$0x0];
	_ =	sdelay $0x2  }
0xbc: {  	s31 =	sshll.u32 s1, $0xD;
	s1 =	sshrl.u32 s1, $0x2  }
0xbd: {  	s3 =	sand.u32 $0x4000, s31;
	s1 =	sadd.s32 s1, s30  }
0xbe: {  	s0 =	sor.u32 s3, s0;
	s1 =	sshll.u32 s1, $0x11  }
0xbf: {  	s0 =	sor.u32 s1, s0  }
0xc0: {  	s0 =	sadd.s32 $0x8F2B, s0  }
0xc1: {  	[sflag:s0] =	ssyncadd.remote.s32 $0x1  }
0xc2: {  	_ =	sfence.sel $0xFFFF  }
0xc3: {  	[dreg:$0x0] =	wrdreg $0xFFFFFFFF;
	(pc) =	sbr.abs _section_cstart, $3  }
0xc4: {  	[dreg:$0x1] =	wrdreg $0xFFFFFFFF  }
0xc5: {  	_ =	task.clear_ibuf [dreg:s9], $0x2FFFF;
	_ =	strace $0x9FFFFFFF  }
0xc6: {  	(tm) =	ssettm $0x7FFFFFFF  }
0xc7: {  	_ =	shalt  }
tec
execute0_lowered:
.L_overlay_start_1:
0x0: {  	(tag) =	ssettag $0x1  }
0x1: {  	s1 =	srdreg.scid;
	s10 =	rddreg [dreg:$0x1]  }
0x2: {  	s0 =	stileid.u32;
	s11 =	rddreg [dreg:$0x2]  }
0x3: {  	s5 =	rddreg [dreg:$0x3];
	s18 =	simm.s32 $0x1C700;
	s19 =	simm.s32 $0x18700  }
0x4: {  	s20 =	simm.s32 $0x0;
	s4 =	sand.u32 $0x1, s1;
	s1 =	rddreg [dreg:$0x0]  }
0x5: {  	s3 =	sshll.u32 s0, $0x1;
	s6 =	sshll.u32 s0, $0x8;
	s13 =	sadd.s32 $0x600, s5  }
0x6: {  	s2 =	sshll.u32 s4, $0x5;
	s8 =	sand.u32 $0x300, s6;
	s4 =	ssub.s32 $0x2, s4  }
0x7: {  	s5 =	sadd.s32 $0x800, s1;
	s2 =	sor.u32 s3, s2;
	s3 =	simm.s32 $0x0  }
0x8: {  	s12 =	sshrl.u32 s4, $0x1;
	s7 =	sshrl.u32 s2, $0x3;
	s2 =	rddreg [dreg:$0x4]  }
0x9: {  	s16 =	sor.u32 $0x80, s8;
	[smem:$0x7FF] =	sst s3;
	s14 =	ssub.s32 s4, s12  }
0xa: {  	s9 =	smul.u32 $0xC3800, s7;
	_ =	strace $0x80000047;
	s30 =	sshll.u32 s7, $0x11  }
0xb: {  	s7 =	sadd.s32 $0x10, s1;
	s15 =	sor.u32 s8, s30;
	s12 =	sor.u32 s16, s30  }
0xc: {  	s6 =	sor.u32 s8, s9;
	s8 =	sadd.s32 $0x810, s1;
	s15 =	sshrl.u32 s15, $0x3  }
0xd: {  	s17 =	sor.u32 s16, s9;
	s12 =	sshrl.u32 s12, $0x3;
	s16 =	simm.s32 $0x1  }
0xe: {  	s6 =	sshrl.u32 s6, $0x3;
	s9 =	sadd.s32 s13, s15;
	s31 =	sshrl.u32 s17, $0x3  }
0xf: {  	s12 =	sadd.s32 s13, s12;
	s13 =	smax.u32 s14, $0x1;
	s14 =	simm.s32 $0x80  }
0x10: {  	s15 =	simm.s32 $0x400;
	s17 =	simm.s32 $0x100;
	s4 =	sadd.s32 s10, s6  }
0x11: {  	s6 =	sadd.s32 s11, s6;
	s10 =	sadd.s32 s10, s31;
	s11 =	sadd.s32 s11, s31  }
.LBB2_1:
0x12: {  	[tilespmem:s3], [sflag:$0x1] =	stream.strided.gather [hbm4b:s4+s14], $0x18700, s15, s14, $0x38;
	[tilespmem:$0x1E700] =	vst v63  }
0x13: {  	_ =	swait.ge [sflag:s16], $0x18700  }
0x14: {  	[sflag:s16] =	ssyncset.done $0x0  }
0x15: {  	[sflag:s16] =	ssyncadd.s32 $0xFFFE7900  }
0x16: {  	[tilespmem:s18], [sflag:$0x1] =	stream.strided.gather [hbm4b:s1+s14], $0x2000, s17, s14, $0x38;
	[tilespmem:$0x1E700] =	vst v63  }
0x17: {  	_ =	swait.ge [sflag:s16], $0x2000  }
0x18: {  	[sflag:s16] =	ssyncset.done $0x0  }
0x19: {  	s21 =	simm.s32 $0x1C740;
	[sflag:s16] =	ssyncadd.s32 $0xFFFFE000  }
0x1a: {  	v0 =	vld [tilespmem:s21+$0x30]  }
0x1b: {  	v1 =	vld [tilespmem:s21+$0xFFFFFFD0]  }
0x1c: {  	v2 =	vld [tilespmem:s21+$0xFFFFFFE0]  }
0x1d: {  	v3 =	vld [tilespmem:s21+$0xFFFFFFF0]  }
0x1e: {  	v4 =	vld [tilespmem:s21+$0x0]  }
0x1f: {  	v6 =	vld [tilespmem:s21+$0x10]  }
0x20: {  	v7 =	vld [tilespmem:s21+$0x20]  }
0x21: {  	v8 =	vld [tilespmem:s21+$0xFFFFFFC0]  }
0x22: {  	v9 =	vld.idx.msk [tilespmem:v0+s3+$0x0], $0xffff  }
0x23: {  	v10 =	vld.idx.msk [tilespmem:v1+s3+$0x0], $0xffff  }
0x24: {  	v5 =	vld.idx.msk [tilespmem:v2+s3+$0x0], $0xffff  }
0x25: {  	v3 =	vld.idx.msk [tilespmem:v3+s3+$0x0], $0xffff  }
0x26: {  	v0 =	vld.idx.msk [tilespmem:v4+s3+$0x0], $0xffff  }
0x27: {  	s21 =	simm.s32 $0x18740;
	v1 =	vld.idx.msk [tilespmem:v6+s3+$0x0], $0xffff  }
0x28: {  	v2 =	vld.idx.msk [tilespmem:v7+s3+$0x0], $0xffff;
	[tilespmem:s21+$0x30] =	vst v9  }
0x29: {  	s22 =	simm.s32 $0x0;
	s23 =	simm.s32 $0x1C7C0;
	v4 =	vld.idx.msk [tilespmem:v8+s3+$0x0], $0xffff;
	[tilespmem:s21+$0xFFFFFFD0] =	vst v10  }
.LBB2_2:
0x2a: {  	v6 =	vld [tilespmem:s23+$0x30];
	s22 =	sadd.s32 $0x8, s22;
	[tilespmem:s21+$0xFFFFFFE0] =	vst v5  }
0x2b: {  	v5 =	vld [tilespmem:s23+$0xFFFFFFD0];
	p0 =	slt.u32 s22, $0x1F8;
	[tilespmem:s21+$0xFFFFFFF0] =	vst v3  }
0x2c: {  	v3 =	vld [tilespmem:s23+$0xFFFFFFE0];
	[tilespmem:s21+$0x0] =	vst v0  }
0x2d: {  	v0 =	vld [tilespmem:s23+$0xFFFFFFF0];
	[tilespmem:s21+$0x10] =	vst v1  }
0x2e: {  	v1 =	vld [tilespmem:s23+$0x0];
	[tilespmem:s21+$0x20] =	vst v2  }
0x2f: {  	v2 =	vld [tilespmem:s23+$0x10];
	[tilespmem:s21+$0xFFFFFFC0] =	vst v4  }
0x30: {  	v4 =	vld [tilespmem:s23+$0x20]  }
0x31: {  	v7 =	vld [tilespmem:s23+$0xFFFFFFC0]  }
0x32: {  	v6 =	vld.idx.msk [tilespmem:v6+s3+$0x0], $0xffff  }
0x33: {  	v8 =	vld.idx.msk [tilespmem:v5+s3+$0x0], $0xffff  }
0x34: {  	v5 =	vld.idx.msk [tilespmem:v3+s3+$0x0], $0xffff  }
.Ltmp0:
0x35: {  	v3 =	vld.idx.msk [tilespmem:v0+s3+$0x0], $0xffff;
	(pc) =	sbr.rel @p0 .LBB2_2-.Ltmp0, $4  }
0x36: {  	v0 =	vld.idx.msk [tilespmem:v1+s3+$0x0], $0xffff  }
0x37: {  	s21 =	sadd.s32 $0x80, s21;
	v1 =	vld.idx.msk [tilespmem:v2+s3+$0x0], $0xffff  }
0x38: {  	v2 =	vld.idx.msk [tilespmem:v4+s3+$0x0], $0xffff;
	[tilespmem:s21+$0x30] =	vst v6  }
0x39: {  	s23 =	sadd.s32 $0x80, s23;
	v4 =	vld.idx.msk [tilespmem:v7+s3+$0x0], $0xffff;
	[tilespmem:s21+$0xFFFFFFD0] =	vst v8  }
0x3a: {  	[tilespmem:s21+$0xFFFFFFE0] =	vst v5  }
0x3b: {  	[tilespmem:s21+$0xFFFFFFF0] =	vst v3  }
0x3c: {  	[tilespmem:s21+$0x0] =	vst v0  }
0x3d: {  	[tilespmem:s21+$0x10] =	vst v1  }
0x3e: {  	[tilespmem:s21+$0x20] =	vst v2  }
0x3f: {  	[tilespmem:s21+$0xFFFFFFC0] =	vst v4  }
0x40: {  	[tilespmem:s18], [sflag:$0x1] =	stream.strided.gather [hbm4b:s5+s14], $0x2000, s17, s14, $0x38;
	[tilespmem:$0x1E700] =	vst v63  }
0x41: {  	_ =	swait.ge [sflag:s16], $0x2000  }
0x42: {  	[sflag:s16] =	ssyncset.done $0x0  }
0x43: {  	s31 =	simm.s32 $0x1C740;
	[sflag:s16] =	ssyncadd.s32 $0xFFFFE000  }
0x44: {  	v0 =	vld [tilespmem:s31+$0x30]  }
0x45: {  	v1 =	vld [tilespmem:s31+$0xFFFFFFD0]  }
0x46: {  	v2 =	vld [tilespmem:s31+$0xFFFFFFE0]  }
0x47: {  	v3 =	vld [tilespmem:s31+$0xFFFFFFF0]  }
0x48: {  	v4 =	vld [tilespmem:s31+$0x0]  }
0x49: {  	v6 =	vld [tilespmem:s31+$0x10]  }
0x4a: {  	v7 =	vld [tilespmem:s31+$0x20]  }
0x4b: {  	v8 =	vld [tilespmem:s31+$0xFFFFFFC0]  }
0x4c: {  	v9 =	vld.idx.msk [tilespmem:v0+s3+$0x0], $0xffff  }
0x4d: {  	v10 =	vld.idx.msk [tilespmem:v1+s3+$0x0], $0xffff  }
0x4e: {  	v5 =	vld.idx.msk [tilespmem:v2+s3+$0x0], $0xffff  }
0x4f: {  	v3 =	vld.idx.msk [tilespmem:v3+s3+$0x0], $0xffff  }
0x50: {  	v0 =	vld.idx.msk [tilespmem:v4+s3+$0x0], $0xffff  }
0x51: {  	s21 =	simm.s32 $0x1A770;
	v1 =	vld.idx.msk [tilespmem:v6+s3+$0x0], $0xffff  }
0x52: {  	v2 =	vld.idx.msk [tilespmem:v7+s3+$0x0], $0xffff;
	[tilespmem:s21+$0x0] =	vst v9  }
0x53: {  	s22 =	simm.s32 $0x0;
	s23 =	simm.s32 $0x1C7C0;
	v4 =	vld.idx.msk [tilespmem:v8+s3+$0x0], $0xffff;
	[tilespmem:s21+$0xFFFFFFA0] =	vst v10  }
.LBB2_4:
0x54: {  	v6 =	vld [tilespmem:s23+$0x30];
	s22 =	sadd.s32 $0x8, s22;
	[tilespmem:s21+$0xFFFFFFB0] =	vst v5  }
0x55: {  	v5 =	vld [tilespmem:s23+$0xFFFFFFD0];
	p0 =	slt.u32 s22, $0x1F8;
	[tilespmem:s21+$0xFFFFFFC0] =	vst v3  }
0x56: {  	v3 =	vld [tilespmem:s23+$0xFFFFFFE0];
	[tilespmem:s21+$0xFFFFFFD0] =	vst v0  }
0x57: {  	v0 =	vld [tilespmem:s23+$0xFFFFFFF0];
	[tilespmem:s21+$0xFFFFFFE0] =	vst v1  }
0x58: {  	v1 =	vld [tilespmem:s23+$0x0];
	[tilespmem:s21+$0xFFFFFFF0] =	vst v2  }
0x59: {  	v2 =	vld [tilespmem:s23+$0x10];
	[tilespmem:s21+$0xFFFFFF90] =	vst v4  }
0x5a: {  	v4 =	vld [tilespmem:s23+$0x20]  }
0x5b: {  	v7 =	vld [tilespmem:s23+$0xFFFFFFC0]  }
0x5c: {  	v6 =	vld.idx.msk [tilespmem:v6+s3+$0x0], $0xffff  }
0x5d: {  	v8 =	vld.idx.msk [tilespmem:v5+s3+$0x0], $0xffff  }
0x5e: {  	v5 =	vld.idx.msk [tilespmem:v3+s3+$0x0], $0xffff  }
.Ltmp1:
0x5f: {  	v3 =	vld.idx.msk [tilespmem:v0+s3+$0x0], $0xffff;
	(pc) =	sbr.rel @p0 .LBB2_4-.Ltmp1, $4  }
0x60: {  	v0 =	vld.idx.msk [tilespmem:v1+s3+$0x0], $0xffff  }
0x61: {  	s21 =	sadd.s32 $0x80, s21;
	v1 =	vld.idx.msk [tilespmem:v2+s3+$0x0], $0xffff  }
0x62: {  	v2 =	vld.idx.msk [tilespmem:v4+s3+$0x0], $0xffff;
	[tilespmem:s21+$0x0] =	vst v6  }
0x63: {  	s23 =	sadd.s32 $0x80, s23;
	v4 =	vld.idx.msk [tilespmem:v7+s3+$0x0], $0xffff;
	[tilespmem:s21+$0xFFFFFFA0] =	vst v8  }
0x64: {  	[tilespmem:s21+$0xFFFFFFB0] =	vst v5  }
0x65: {  	[tilespmem:s21+$0xFFFFFFC0] =	vst v3  }
0x66: {  	[tilespmem:s21+$0xFFFFFFD0] =	vst v0  }
0x67: {  	[tilespmem:s21+$0xFFFFFFE0] =	vst v1  }
0x68: {  	[tilespmem:s21+$0xFFFFFFF0] =	vst v2  }
0x69: {  	[tilespmem:s21+$0xFFFFFF90] =	vst v4  }
0x6a: {  	[tilespmem:s3], [sflag:$0x1] =	stream.strided.gather [hbm4b:s6+s14], $0x18700, s15, s14, $0x38;
	[tilespmem:$0x1E700] =	vst v63  }
0x6b: {  	_ =	swait.ge [sflag:s16], $0x18700  }
0x6c: {  	[sflag:s16] =	ssyncset.done $0x0  }
0x6d: {  	[sflag:s16] =	ssyncadd.s32 $0xFFFE7900  }
0x6e: {  	[tilespmem:s18], [sflag:$0x1] =	stream.strided.gather [hbm4b:s7+s14], $0x2000, s17, s14, $0x38;
	[tilespmem:$0x1E700] =	vst v63  }
0x6f: {  	_ =	swait.ge [sflag:s16], $0x2000  }
0x70: {  	[sflag:s16] =	ssyncset.done $0x0  }
0x71: {  	s31 =	simm.s32 $0x1C740;
	[sflag:s16] =	ssyncadd.s32 $0xFFFFE000  }
0x72: {  	v0 =	vld [tilespmem:s31+$0x30]  }
0x73: {  	v1 =	vld [tilespmem:s31+$0xFFFFFFD0]  }
0x74: {  	v2 =	vld [tilespmem:s31+$0xFFFFFFE0]  }
0x75: {  	v3 =	vld [tilespmem:s31+$0xFFFFFFF0]  }
0x76: {  	v5 =	vld [tilespmem:s31+$0x0]  }
0x77: {  	v6 =	vld [tilespmem:s31+$0x10]  }
0x78: {  	v7 =	vld [tilespmem:s31+$0x20]  }
0x79: {  	s21 =	simm.s32 $0x18740;
	v8 =	vld [tilespmem:s31+$0xFFFFFFC0]  }
0x7a: {  	v11 =	vld [tilespmem:s21+$0x30]  }
0x7b: {  	v14 =	vld [tilespmem:s21+$0xFFFFFFD0]  }
0x7c: {  	v9 =	vld [tilespmem:s21+$0xFFFFFFE0]  }
0x7d: {  	v10 =	vld.idx.msk [tilespmem:v0+s3+$0x0], $0xffff  }
0x7e: {  	v12 =	vld.idx.msk [tilespmem:v1+s3+$0x0], $0xffff  }
0x7f: {  	v4 =	vld.idx.msk [tilespmem:v2+s3+$0x0], $0xffff  }
0x80: {  	v3 =	vld.idx.msk [tilespmem:v3+s3+$0x0], $0xffff  }
0x81: {  	v13 =	vld.idx.msk [tilespmem:v8+s3+$0x0], $0xffff  }
0x82: {  	v1 =	vld.idx.msk [tilespmem:v7+s3+$0x0], $0xffff  }
0x83: {  	v7 =	vld [tilespmem:s21+$0xFFFFFFC0]  }
0x84: {  	v2 =	vld.idx.msk [tilespmem:v5+s3+$0x0], $0xffff  }
0x85: {  	v0 =	vld.idx.msk [tilespmem:v6+s3+$0x0], $0xffff  }
0x86: {  	v8 =	vld [tilespmem:s21+$0xFFFFFFF0]  }
0x87: {  	v6 =	vld [tilespmem:s21+$0x0];
	v10 =	vmul.f32 v11, v10  }
0x88: {  	v5 =	vld [tilespmem:s21+$0x10];
	v11 =	vmul.f32 v7, v13  }
0x89: {  	s22 =	simm.s32 $0x0;
	s23 =	simm.s32 $0x1C7C0;
	v7 =	vld [tilespmem:s21+$0x20];
	[tilespmem:s21+$0x30] =	vst v10;
	v10 =	vmul.f32 v14, v12  }
.LBB2_6:
0x8a: {  	v12 =	vld [tilespmem:s23+$0x30];
	s22 =	sadd.s32 $0x8, s22;
	[tilespmem:s21+$0xFFFFFFC0] =	vst v11;
	v4 =	vmul.f32 v9, v4  }
0x8b: {  	v9 =	vld [tilespmem:s23+$0xFFFFFFD0];
	p0 =	slt.u32 s22, $0x1F8;
	[tilespmem:s21+$0xFFFFFFD0] =	vst v10;
	v3 =	vmul.f32 v8, v3  }
0x8c: {  	v8 =	vld [tilespmem:s23+$0xFFFFFFE0];
	[tilespmem:s21+$0xFFFFFFE0] =	vst v4;
	v2 =	vmul.f32 v6, v2  }
0x8d: {  	v6 =	vld [tilespmem:s23+$0xFFFFFFF0];
	[tilespmem:s21+$0xFFFFFFF0] =	vst v3;
	v0 =	vmul.f32 v5, v0  }
0x8e: {  	v5 =	vld [tilespmem:s23+$0x0];
	[tilespmem:s21+$0x0] =	vst v2;
	v1 =	vmul.f32 v7, v1  }
0x8f: {  	v7 =	vld [tilespmem:s23+$0x10];
	[tilespmem:s21+$0x10] =	vst v0  }
0x90: {  	v10 =	vld [tilespmem:s23+$0x20];
	[tilespmem:s21+$0x20] =	vst v1  }
0x91: {  	v1 =	vld [tilespmem:s23+$0xFFFFFFC0]  }
0x92: {  	s21 =	sadd.s32 $0x80, s21;
	v11 =	vld.idx.msk [tilespmem:v12+s3+$0x0], $0xffff  }
0x93: {  	v12 =	vld [tilespmem:s21+$0x30]  }
0x94: {  	v13 =	vld.idx.msk [tilespmem:v9+s3+$0x0], $0xffff  }
0x95: {  	v4 =	vld.idx.msk [tilespmem:v8+s3+$0x0], $0xffff  }
0x96: {  	v3 =	vld.idx.msk [tilespmem:v6+s3+$0x0], $0xffff  }
0x97: {  	v2 =	vld.idx.msk [tilespmem:v5+s3+$0x0], $0xffff  }
0x98: {  	v0 =	vld.idx.msk [tilespmem:v7+s3+$0x0], $0xffff;
	v5 =	vmul.f32 v12, v11  }
0x99: {  	v7 =	vld.idx.msk [tilespmem:v1+s3+$0x0], $0xffff  }
0x9a: {  	v1 =	vld.idx.msk [tilespmem:v10+s3+$0x0], $0xffff;
	[tilespmem:s21+$0x30] =	vst v5  }
0x9b: {  	v5 =	vld [tilespmem:s21+$0xFFFFFFC0]  }
0x9c: {  	v10 =	vld [tilespmem:s21+$0xFFFFFFD0]  }
.Ltmp2:
0x9d: {  	v9 =	vld [tilespmem:s21+$0xFFFFFFE0];
	(pc) =	sbr.rel @p0 .LBB2_6-.Ltmp2, $4  }
0x9e: {  	v8 =	vld [tilespmem:s21+$0xFFFFFFF0]  }
0x9f: {  	v6 =	vld [tilespmem:s21+$0x0]  }
0xa0: {  	v11 =	vmul.f32 v5, v7;
	v5 =	vld [tilespmem:s21+$0x10]  }
0xa1: {  	s23 =	sadd.s32 $0x80, s23;
	v10 =	vmul.f32 v10, v13;
	v7 =	vld [tilespmem:s21+$0x20]  }
0xa2: {  	[tilespmem:s21+$0xFFFFFFC0] =	vst v11;
	v4 =	vmul.f32 v9, v4  }
0xa3: {  	[tilespmem:s21+$0xFFFFFFD0] =	vst v10;
	v3 =	vmul.f32 v8, v3  }
0xa4: {  	[tilespmem:s21+$0xFFFFFFE0] =	vst v4;
	v2 =	vmul.f32 v6, v2  }
0xa5: {  	[tilespmem:s21+$0xFFFFFFF0] =	vst v3;
	v0 =	vmul.f32 v5, v0  }
0xa6: {  	[tilespmem:s21+$0x0] =	vst v2;
	v1 =	vmul.f32 v7, v1  }
0xa7: {  	[tilespmem:s21+$0x10] =	vst v0  }
0xa8: {  	[tilespmem:s21+$0x20] =	vst v1  }
0xa9: {  	[tilespmem:s18], [sflag:$0x1] =	stream.strided.gather [hbm4b:s8+s14], $0x2000, s17, s14, $0x38;
	[tilespmem:$0x1E700] =	vst v63  }
0xaa: {  	_ =	swait.ge [sflag:s16], $0x2000  }
0xab: {  	[sflag:s16] =	ssyncset.done $0x0  }
0xac: {  	s31 =	simm.s32 $0x1C740;
	[sflag:s16] =	ssyncadd.s32 $0xFFFFE000  }
0xad: {  	v0 =	vld [tilespmem:s31+$0x30]  }
0xae: {  	v1 =	vld [tilespmem:s31+$0xFFFFFFD0]  }
0xaf: {  	v2 =	vld [tilespmem:s31+$0xFFFFFFE0]  }
0xb0: {  	v3 =	vld [tilespmem:s31+$0xFFFFFFF0]  }
0xb1: {  	v5 =	vld [tilespmem:s31+$0x0]  }
0xb2: {  	v6 =	vld [tilespmem:s31+$0x10]  }
0xb3: {  	v7 =	vld [tilespmem:s31+$0x20]  }
0xb4: {  	s21 =	simm.s32 $0x1A770;
	v8 =	vld [tilespmem:s31+$0xFFFFFFC0]  }
0xb5: {  	v11 =	vld [tilespmem:s21+$0x0]  }
0xb6: {  	v14 =	vld [tilespmem:s21+$0xFFFFFFA0]  }
0xb7: {  	v9 =	vld [tilespmem:s21+$0xFFFFFFB0]  }
0xb8: {  	v10 =	vld.idx.msk [tilespmem:v0+s3+$0x0], $0xffff  }
0xb9: {  	v12 =	vld.idx.msk [tilespmem:v1+s3+$0x0], $0xffff  }
0xba: {  	v4 =	vld.idx.msk [tilespmem:v2+s3+$0x0], $0xffff  }
0xbb: {  	v3 =	vld.idx.msk [tilespmem:v3+s3+$0x0], $0xffff  }
0xbc: {  	v13 =	vld.idx.msk [tilespmem:v8+s3+$0x0], $0xffff  }
0xbd: {  	v1 =	vld.idx.msk [tilespmem:v7+s3+$0x0], $0xffff  }
0xbe: {  	v7 =	vld [tilespmem:s21+$0xFFFFFF90]  }
0xbf: {  	v2 =	vld.idx.msk [tilespmem:v5+s3+$0x0], $0xffff  }
0xc0: {  	v0 =	vld.idx.msk [tilespmem:v6+s3+$0x0], $0xffff  }
0xc1: {  	v8 =	vld [tilespmem:s21+$0xFFFFFFC0]  }
0xc2: {  	v6 =	vld [tilespmem:s21+$0xFFFFFFD0];
	v10 =	vmul.f32 v11, v10  }
0xc3: {  	v5 =	vld [tilespmem:s21+$0xFFFFFFE0];
	v11 =	vmul.f32 v7, v13  }
0xc4: {  	s22 =	simm.s32 $0x0;
	s23 =	simm.s32 $0x1C7C0;
	v7 =	vld [tilespmem:s21+$0xFFFFFFF0];
	[tilespmem:s21+$0x0] =	vst v10;
	v10 =	vmul.f32 v14, v12  }
.LBB2_8:
0xc5: {  	v12 =	vld [tilespmem:s23+$0x30];
	s22 =	sadd.s32 $0x8, s22;
	[tilespmem:s21+$0xFFFFFF90] =	vst v11;
	v4 =	vmul.f32 v9, v4  }
0xc6: {  	v9 =	vld [tilespmem:s23+$0xFFFFFFD0];
	p0 =	slt.u32 s22, $0x1F8;
	[tilespmem:s21+$0xFFFFFFA0] =	vst v10;
	v3 =	vmul.f32 v8, v3  }
0xc7: {  	v8 =	vld [tilespmem:s23+$0xFFFFFFE0];
	[tilespmem:s21+$0xFFFFFFB0] =	vst v4;
	v2 =	vmul.f32 v6, v2  }
0xc8: {  	v6 =	vld [tilespmem:s23+$0xFFFFFFF0];
	[tilespmem:s21+$0xFFFFFFC0] =	vst v3;
	v0 =	vmul.f32 v5, v0  }
0xc9: {  	v5 =	vld [tilespmem:s23+$0x0];
	[tilespmem:s21+$0xFFFFFFD0] =	vst v2;
	v1 =	vmul.f32 v7, v1  }
0xca: {  	v7 =	vld [tilespmem:s23+$0x10];
	[tilespmem:s21+$0xFFFFFFE0] =	vst v0  }
0xcb: {  	v10 =	vld [tilespmem:s23+$0x20];
	[tilespmem:s21+$0xFFFFFFF0] =	vst v1  }
0xcc: {  	v1 =	vld [tilespmem:s23+$0xFFFFFFC0]  }
0xcd: {  	s21 =	sadd.s32 $0x80, s21;
	v11 =	vld.idx.msk [tilespmem:v12+s3+$0x0], $0xffff  }
0xce: {  	v12 =	vld [tilespmem:s21+$0x0]  }
0xcf: {  	v13 =	vld.idx.msk [tilespmem:v9+s3+$0x0], $0xffff  }
0xd0: {  	v4 =	vld.idx.msk [tilespmem:v8+s3+$0x0], $0xffff  }
0xd1: {  	v3 =	vld.idx.msk [tilespmem:v6+s3+$0x0], $0xffff  }
0xd2: {  	v2 =	vld.idx.msk [tilespmem:v5+s3+$0x0], $0xffff  }
0xd3: {  	v0 =	vld.idx.msk [tilespmem:v7+s3+$0x0], $0xffff;
	v5 =	vmul.f32 v12, v11  }
0xd4: {  	v7 =	vld.idx.msk [tilespmem:v1+s3+$0x0], $0xffff  }
0xd5: {  	v1 =	vld.idx.msk [tilespmem:v10+s3+$0x0], $0xffff;
	[tilespmem:s21+$0x0] =	vst v5  }
0xd6: {  	v5 =	vld [tilespmem:s21+$0xFFFFFF90]  }
0xd7: {  	v10 =	vld [tilespmem:s21+$0xFFFFFFA0]  }
.Ltmp3:
0xd8: {  	v9 =	vld [tilespmem:s21+$0xFFFFFFB0];
	(pc) =	sbr.rel @p0 .LBB2_8-.Ltmp3, $4  }
0xd9: {  	v8 =	vld [tilespmem:s21+$0xFFFFFFC0]  }
0xda: {  	v6 =	vld [tilespmem:s21+$0xFFFFFFD0]  }
0xdb: {  	v11 =	vmul.f32 v5, v7;
	v5 =	vld [tilespmem:s21+$0xFFFFFFE0]  }
0xdc: {  	s23 =	sadd.s32 $0x80, s23;
	v10 =	vmul.f32 v10, v13;
	v7 =	vld [tilespmem:s21+$0xFFFFFFF0]  }
0xdd: {  	[tilespmem:s21+$0xFFFFFF90] =	vst v11;
	v4 =	vmul.f32 v9, v4  }
0xde: {  	[tilespmem:s21+$0xFFFFFFA0] =	vst v10;
	v3 =	vmul.f32 v8, v3  }
0xdf: {  	[tilespmem:s21+$0xFFFFFFB0] =	vst v4;
	v2 =	vmul.f32 v6, v2  }
0xe0: {  	[tilespmem:s21+$0xFFFFFFC0] =	vst v3;
	v0 =	vmul.f32 v5, v0  }
0xe1: {  	[tilespmem:s21+$0xFFFFFFD0] =	vst v2;
	v1 =	vmul.f32 v7, v1  }
0xe2: {  	[tilespmem:s21+$0xFFFFFFE0] =	vst v0  }
0xe3: {  	[tilespmem:s21+$0xFFFFFFF0] =	vst v1  }
0xe4: {  	[hbm4b:s9+s14] =	stream.strided.scatter [tilespmem:s19], [sflag:$0x1], $0x4000, s15, s14, $0x38;
	[tilespmem:$0x1E700] =	vst v63  }
0xe5: {  	_ =	swait.ge [sflag:s16], $0x4000  }
0xe6: {  	[sflag:s16] =	ssyncset.done $0x0  }
0xe7: {  	[sflag:s16] =	ssyncadd.s32 $0xFFFFC000  }
0xe8: {  	[tilespmem:s3], [sflag:$0x1] =	stream.strided.gather [hbm4b:s10+s14], $0x18700, s15, s14, $0x38;
	[tilespmem:$0x1E700] =	vst v63  }
0xe9: {  	_ =	swait.ge [sflag:s16], $0x18700  }
0xea: {  	[sflag:s16] =	ssyncset.done $0x0  }
0xeb: {  	[sflag:s16] =	ssyncadd.s32 $0xFFFE7900  }
0xec: {  	[tilespmem:s18], [sflag:$0x1] =	stream.strided.gather [hbm4b:s1+s14], $0x2000, s17, s14, $0x38;
	[tilespmem:$0x1E700] =	vst v63  }
0xed: {  	_ =	swait.ge [sflag:s16], $0x2000  }
0xee: {  	[sflag:s16] =	ssyncset.done $0x0  }
0xef: {  	s31 =	simm.s32 $0x1C740;
	[sflag:s16] =	ssyncadd.s32 $0xFFFFE000  }
0xf0: {  	v0 =	vld [tilespmem:s31+$0x30]  }
0xf1: {  	v1 =	vld [tilespmem:s31+$0xFFFFFFD0]  }
0xf2: {  	v2 =	vld [tilespmem:s31+$0xFFFFFFE0]  }
0xf3: {  	v3 =	vld [tilespmem:s31+$0xFFFFFFF0]  }
0xf4: {  	v4 =	vld [tilespmem:s31+$0x0]  }
0xf5: {  	v6 =	vld [tilespmem:s31+$0x10]  }
0xf6: {  	v7 =	vld [tilespmem:s31+$0x20]  }
0xf7: {  	v61 =	vld [tilespmem:s31+$0xFFFFFFC0]  }
0xf8: {  	v62 =	vld.idx.msk [tilespmem:v0+s3+$0x0], $0xffff  }
0xf9: {  	v63 =	vld.idx.msk [tilespmem:v1+s3+$0x0], $0xffff  }
0xfa: {  	v5 =	vld.idx.msk [tilespmem:v2+s3+$0x0], $0xffff  }
0xfb: {  	v3 =	vld.idx.msk [tilespmem:v3+s3+$0x0], $0xffff  }
0xfc: {  	v0 =	vld.idx.msk [tilespmem:v4+s3+$0x0], $0xffff  }
0xfd: {  	s21 =	simm.s32 $0x18740;
	v1 =	vld.idx.msk [tilespmem:v6+s3+$0x0], $0xffff  }
0xfe: {  	v2 =	vld.idx.msk [tilespmem:v7+s3+$0x0], $0xffff;
	[tilespmem:s21+$0x30] =	vst v62  }
0xff: {  	s22 =	simm.s32 $0x0;
	s23 =	simm.s32 $0x1C7C0;
	v4 =	vld.idx.msk [tilespmem:v61+s3+$0x0], $0xffff;
	[tilespmem:s21+$0xFFFFFFD0] =	vst v63  }
.LBB2_10:
0x100: {  	v6 =	vld [tilespmem:s23+$0x30];
	s22 =	sadd.s32 $0x8, s22;
	[tilespmem:s21+$0xFFFFFFE0] =	vst v5  }
0x101: {  	v5 =	vld [tilespmem:s23+$0xFFFFFFD0];
	p0 =	slt.u32 s22, $0x1F8;
	[tilespmem:s21+$0xFFFFFFF0] =	vst v3  }
0x102: {  	v3 =	vld [tilespmem:s23+$0xFFFFFFE0];
	[tilespmem:s21+$0x0] =	vst v0  }
0x103: {  	v0 =	vld [tilespmem:s23+$0xFFFFFFF0];
	[tilespmem:s21+$0x10] =	vst v1  }
0x104: {  	v1 =	vld [tilespmem:s23+$0x0];
	[tilespmem:s21+$0x20] =	vst v2  }
0x105: {  	v2 =	vld [tilespmem:s23+$0x10];
	[tilespmem:s21+$0xFFFFFFC0] =	vst v4  }
0x106: {  	v4 =	vld [tilespmem:s23+$0x20]  }
0x107: {  	v7 =	vld [tilespmem:s23+$0xFFFFFFC0]  }
0x108: {  	v6 =	vld.idx.msk [tilespmem:v6+s3+$0x0], $0xffff  }
0x109: {  	v8 =	vld.idx.msk [tilespmem:v5+s3+$0x0], $0xffff  }
0x10a: {  	v5 =	vld.idx.msk [tilespmem:v3+s3+$0x0], $0xffff  }
.Ltmp4:
0x10b: {  	v3 =	vld.idx.msk [tilespmem:v0+s3+$0x0], $0xffff;
	(pc) =	sbr.rel @p0 .LBB2_10-.Ltmp4, $4  }
0x10c: {  	v0 =	vld.idx.msk [tilespmem:v1+s3+$0x0], $0xffff  }
0x10d: {  	s21 =	sadd.s32 $0x80, s21;
	v1 =	vld.idx.msk [tilespmem:v2+s3+$0x0], $0xffff  }
0x10e: {  	v2 =	vld.idx.msk [tilespmem:v4+s3+$0x0], $0xffff;
	[tilespmem:s21+$0x30] =	vst v6  }
0x10f: {  	s23 =	sadd.s32 $0x80, s23;
	v4 =	vld.idx.msk [tilespmem:v7+s3+$0x0], $0xffff;
	[tilespmem:s21+$0xFFFFFFD0] =	vst v8  }
0x110: {  	[tilespmem:s21+$0xFFFFFFE0] =	vst v5  }
0x111: {  	[tilespmem:s21+$0xFFFFFFF0] =	vst v3  }
0x112: {  	[tilespmem:s21+$0x0] =	vst v0  }
0x113: {  	[tilespmem:s21+$0x10] =	vst v1  }
0x114: {  	[tilespmem:s21+$0x20] =	vst v2  }
0x115: {  	[tilespmem:s21+$0xFFFFFFC0] =	vst v4  }
0x116: {  	[tilespmem:s18], [sflag:$0x1] =	stream.strided.gather [hbm4b:s5+s14], $0x2000, s17, s14, $0x38;
	[tilespmem:$0x1E700] =	vst v63  }
0x117: {  	_ =	swait.ge [sflag:s16], $0x2000  }
0x118: {  	[sflag:s16] =	ssyncset.done $0x0  }
0x119: {  	s31 =	simm.s32 $0x1C740;
	[sflag:s16] =	ssyncadd.s32 $0xFFFFE000  }
0x11a: {  	v0 =	vld [tilespmem:s31+$0x30]  }
0x11b: {  	v1 =	vld [tilespmem:s31+$0xFFFFFFD0]  }
0x11c: {  	v2 =	vld [tilespmem:s31+$0xFFFFFFE0]  }
0x11d: {  	v3 =	vld [tilespmem:s31+$0xFFFFFFF0]  }
0x11e: {  	v4 =	vld [tilespmem:s31+$0x0]  }
0x11f: {  	v6 =	vld [tilespmem:s31+$0x10]  }
0x120: {  	v7 =	vld [tilespmem:s31+$0x20]  }
0x121: {  	v8 =	vld [tilespmem:s31+$0xFFFFFFC0]  }
0x122: {  	v9 =	vld.idx.msk [tilespmem:v0+s3+$0x0], $0xffff  }
0x123: {  	v10 =	vld.idx.msk [tilespmem:v1+s3+$0x0], $0xffff  }
0x124: {  	v5 =	vld.idx.msk [tilespmem:v2+s3+$0x0], $0xffff  }
0x125: {  	v3 =	vld.idx.msk [tilespmem:v3+s3+$0x0], $0xffff  }
0x126: {  	v0 =	vld.idx.msk [tilespmem:v4+s3+$0x0], $0xffff  }
0x127: {  	s21 =	simm.s32 $0x1A770;
	v1 =	vld.idx.msk [tilespmem:v6+s3+$0x0], $0xffff  }
0x128: {  	v2 =	vld.idx.msk [tilespmem:v7+s3+$0x0], $0xffff;
	[tilespmem:s21+$0x0] =	vst v9  }
0x129: {  	s22 =	simm.s32 $0x0;
	s23 =	simm.s32 $0x1C7C0;
	v4 =	vld.idx.msk [tilespmem:v8+s3+$0x0], $0xffff;
	[tilespmem:s21+$0xFFFFFFA0] =	vst v10  }
.LBB2_12:
0x12a: {  	v6 =	vld [tilespmem:s23+$0x30];
	s22 =	sadd.s32 $0x8, s22;
	[tilespmem:s21+$0xFFFFFFB0] =	vst v5  }
0x12b: {  	v5 =	vld [tilespmem:s23+$0xFFFFFFD0];
	p0 =	slt.u32 s22, $0x1F8;
	[tilespmem:s21+$0xFFFFFFC0] =	vst v3  }
0x12c: {  	v3 =	vld [tilespmem:s23+$0xFFFFFFE0];
	[tilespmem:s21+$0xFFFFFFD0] =	vst v0  }
0x12d: {  	v0 =	vld [tilespmem:s23+$0xFFFFFFF0];
	[tilespmem:s21+$0xFFFFFFE0] =	vst v1  }
0x12e: {  	v1 =	vld [tilespmem:s23+$0x0];
	[tilespmem:s21+$0xFFFFFFF0] =	vst v2  }
0x12f: {  	v2 =	vld [tilespmem:s23+$0x10];
	[tilespmem:s21+$0xFFFFFF90] =	vst v4  }
0x130: {  	v4 =	vld [tilespmem:s23+$0x20]  }
0x131: {  	v7 =	vld [tilespmem:s23+$0xFFFFFFC0]  }
0x132: {  	v6 =	vld.idx.msk [tilespmem:v6+s3+$0x0], $0xffff  }
0x133: {  	v8 =	vld.idx.msk [tilespmem:v5+s3+$0x0], $0xffff  }
0x134: {  	v5 =	vld.idx.msk [tilespmem:v3+s3+$0x0], $0xffff  }
.Ltmp5:
0x135: {  	v3 =	vld.idx.msk [tilespmem:v0+s3+$0x0], $0xffff;
	(pc) =	sbr.rel @p0 .LBB2_12-.Ltmp5, $4  }
0x136: {  	v0 =	vld.idx.msk [tilespmem:v1+s3+$0x0], $0xffff  }
0x137: {  	s21 =	sadd.s32 $0x80, s21;
	v1 =	vld.idx.msk [tilespmem:v2+s3+$0x0], $0xffff  }
0x138: {  	v2 =	vld.idx.msk [tilespmem:v4+s3+$0x0], $0xffff;
	[tilespmem:s21+$0x0] =	vst v6  }
0x139: {  	s23 =	sadd.s32 $0x80, s23;
	v4 =	vld.idx.msk [tilespmem:v7+s3+$0x0], $0xffff;
	[tilespmem:s21+$0xFFFFFFA0] =	vst v8  }
0x13a: {  	[tilespmem:s21+$0xFFFFFFB0] =	vst v5  }
0x13b: {  	[tilespmem:s21+$0xFFFFFFC0] =	vst v3  }
0x13c: {  	[tilespmem:s21+$0xFFFFFFD0] =	vst v0  }
0x13d: {  	[tilespmem:s21+$0xFFFFFFE0] =	vst v1  }
0x13e: {  	[tilespmem:s21+$0xFFFFFFF0] =	vst v2  }
0x13f: {  	[tilespmem:s21+$0xFFFFFF90] =	vst v4  }
0x140: {  	[tilespmem:s3], [sflag:$0x1] =	stream.strided.gather [hbm4b:s11+s14], $0x18700, s15, s14, $0x38;
	[tilespmem:$0x1E700] =	vst v63  }
0x141: {  	_ =	swait.ge [sflag:s16], $0x18700  }
0x142: {  	[sflag:s16] =	ssyncset.done $0x0  }
0x143: {  	[sflag:s16] =	ssyncadd.s32 $0xFFFE7900  }
0x144: {  	[tilespmem:s18], [sflag:$0x1] =	stream.strided.gather [hbm4b:s7+s14], $0x2000, s17, s14, $0x38;
	[tilespmem:$0x1E700] =	vst v63  }
0x145: {  	_ =	swait.ge [sflag:s16], $0x2000  }
0x146: {  	[sflag:s16] =	ssyncset.done $0x0  }
0x147: {  	s31 =	simm.s32 $0x1C740;
	[sflag:s16] =	ssyncadd.s32 $0xFFFFE000  }
0x148: {  	v0 =	vld [tilespmem:s31+$0x30]  }
0x149: {  	v1 =	vld [tilespmem:s31+$0xFFFFFFD0]  }
0x14a: {  	v2 =	vld [tilespmem:s31+$0xFFFFFFE0]  }
0x14b: {  	v3 =	vld [tilespmem:s31+$0xFFFFFFF0]  }
0x14c: {  	v5 =	vld [tilespmem:s31+$0x0]  }
0x14d: {  	v6 =	vld [tilespmem:s31+$0x10]  }
0x14e: {  	v7 =	vld [tilespmem:s31+$0x20]  }
0x14f: {  	s21 =	simm.s32 $0x18740;
	v8 =	vld [tilespmem:s31+$0xFFFFFFC0]  }
0x150: {  	v11 =	vld [tilespmem:s21+$0x30]  }
0x151: {  	v14 =	vld [tilespmem:s21+$0xFFFFFFD0]  }
0x152: {  	v9 =	vld [tilespmem:s21+$0xFFFFFFE0]  }
0x153: {  	v10 =	vld.idx.msk [tilespmem:v0+s3+$0x0], $0xffff  }
0x154: {  	v12 =	vld.idx.msk [tilespmem:v1+s3+$0x0], $0xffff  }
0x155: {  	v4 =	vld.idx.msk [tilespmem:v2+s3+$0x0], $0xffff  }
0x156: {  	v3 =	vld.idx.msk [tilespmem:v3+s3+$0x0], $0xffff  }
0x157: {  	v13 =	vld.idx.msk [tilespmem:v8+s3+$0x0], $0xffff  }
0x158: {  	v1 =	vld.idx.msk [tilespmem:v7+s3+$0x0], $0xffff  }
0x159: {  	v7 =	vld [tilespmem:s21+$0xFFFFFFC0]  }
0x15a: {  	v2 =	vld.idx.msk [tilespmem:v5+s3+$0x0], $0xffff  }
0x15b: {  	v0 =	vld.idx.msk [tilespmem:v6+s3+$0x0], $0xffff  }
0x15c: {  	v8 =	vld [tilespmem:s21+$0xFFFFFFF0]  }
0x15d: {  	v6 =	vld [tilespmem:s21+$0x0];
	v10 =	vmul.f32 v11, v10  }
0x15e: {  	v5 =	vld [tilespmem:s21+$0x10];
	v11 =	vmul.f32 v7, v13  }
0x15f: {  	s22 =	simm.s32 $0x0;
	s23 =	simm.s32 $0x1C7C0;
	v7 =	vld [tilespmem:s21+$0x20];
	[tilespmem:s21+$0x30] =	vst v10;
	v10 =	vmul.f32 v14, v12  }
.LBB2_14:
0x160: {  	v12 =	vld [tilespmem:s23+$0x30];
	s22 =	sadd.s32 $0x8, s22;
	[tilespmem:s21+$0xFFFFFFC0] =	vst v11;
	v4 =	vmul.f32 v9, v4  }
0x161: {  	v9 =	vld [tilespmem:s23+$0xFFFFFFD0];
	p0 =	slt.u32 s22, $0x1F8;
	[tilespmem:s21+$0xFFFFFFD0] =	vst v10;
	v3 =	vmul.f32 v8, v3  }
0x162: {  	v8 =	vld [tilespmem:s23+$0xFFFFFFE0];
	[tilespmem:s21+$0xFFFFFFE0] =	vst v4;
	v2 =	vmul.f32 v6, v2  }
0x163: {  	v6 =	vld [tilespmem:s23+$0xFFFFFFF0];
	[tilespmem:s21+$0xFFFFFFF0] =	vst v3;
	v0 =	vmul.f32 v5, v0  }
0x164: {  	v5 =	vld [tilespmem:s23+$0x0];
	[tilespmem:s21+$0x0] =	vst v2;
	v1 =	vmul.f32 v7, v1  }
0x165: {  	v7 =	vld [tilespmem:s23+$0x10];
	[tilespmem:s21+$0x10] =	vst v0  }
0x166: {  	v10 =	vld [tilespmem:s23+$0x20];
	[tilespmem:s21+$0x20] =	vst v1  }
0x167: {  	v1 =	vld [tilespmem:s23+$0xFFFFFFC0]  }
0x168: {  	s21 =	sadd.s32 $0x80, s21;
	v11 =	vld.idx.msk [tilespmem:v12+s3+$0x0], $0xffff  }
0x169: {  	v12 =	vld [tilespmem:s21+$0x30]  }
0x16a: {  	v13 =	vld.idx.msk [tilespmem:v9+s3+$0x0], $0xffff  }
0x16b: {  	v4 =	vld.idx.msk [tilespmem:v8+s3+$0x0], $0xffff  }
0x16c: {  	v3 =	vld.idx.msk [tilespmem:v6+s3+$0x0], $0xffff  }
0x16d: {  	v2 =	vld.idx.msk [tilespmem:v5+s3+$0x0], $0xffff  }
0x16e: {  	v0 =	vld.idx.msk [tilespmem:v7+s3+$0x0], $0xffff;
	v5 =	vmul.f32 v12, v11  }
0x16f: {  	v7 =	vld.idx.msk [tilespmem:v1+s3+$0x0], $0xffff  }
0x170: {  	v1 =	vld.idx.msk [tilespmem:v10+s3+$0x0], $0xffff;
	[tilespmem:s21+$0x30] =	vst v5  }
0x171: {  	v5 =	vld [tilespmem:s21+$0xFFFFFFC0]  }
0x172: {  	v10 =	vld [tilespmem:s21+$0xFFFFFFD0]  }
.Ltmp6:
0x173: {  	v9 =	vld [tilespmem:s21+$0xFFFFFFE0];
	(pc) =	sbr.rel @p0 .LBB2_14-.Ltmp6, $4  }
0x174: {  	v8 =	vld [tilespmem:s21+$0xFFFFFFF0]  }
0x175: {  	v6 =	vld [tilespmem:s21+$0x0]  }
0x176: {  	v11 =	vmul.f32 v5, v7;
	v5 =	vld [tilespmem:s21+$0x10]  }
0x177: {  	s23 =	sadd.s32 $0x80, s23;
	v10 =	vmul.f32 v10, v13;
	v7 =	vld [tilespmem:s21+$0x20]  }
0x178: {  	[tilespmem:s21+$0xFFFFFFC0] =	vst v11;
	v4 =	vmul.f32 v9, v4  }
0x179: {  	[tilespmem:s21+$0xFFFFFFD0] =	vst v10;
	v3 =	vmul.f32 v8, v3  }
0x17a: {  	[tilespmem:s21+$0xFFFFFFE0] =	vst v4;
	v2 =	vmul.f32 v6, v2  }
0x17b: {  	[tilespmem:s21+$0xFFFFFFF0] =	vst v3;
	v0 =	vmul.f32 v5, v0  }
0x17c: {  	[tilespmem:s21+$0x0] =	vst v2;
	v1 =	vmul.f32 v7, v1  }
0x17d: {  	[tilespmem:s21+$0x10] =	vst v0  }
0x17e: {  	[tilespmem:s21+$0x20] =	vst v1  }
0x17f: {  	[tilespmem:s18], [sflag:$0x1] =	stream.strided.gather [hbm4b:s8+s14], $0x2000, s17, s14, $0x38;
	[tilespmem:$0x1E700] =	vst v63  }
0x180: {  	_ =	swait.ge [sflag:s16], $0x2000  }
0x181: {  	[sflag:s16] =	ssyncset.done $0x0  }
0x182: {  	s31 =	simm.s32 $0x1C740;
	[sflag:s16] =	ssyncadd.s32 $0xFFFFE000  }
0x183: {  	v0 =	vld [tilespmem:s31+$0x30]  }
0x184: {  	v1 =	vld [tilespmem:s31+$0xFFFFFFD0]  }
0x185: {  	v2 =	vld [tilespmem:s31+$0xFFFFFFE0]  }
0x186: {  	v3 =	vld [tilespmem:s31+$0xFFFFFFF0]  }
0x187: {  	v5 =	vld [tilespmem:s31+$0x0]  }
0x188: {  	v6 =	vld [tilespmem:s31+$0x10]  }
0x189: {  	v7 =	vld [tilespmem:s31+$0x20]  }
0x18a: {  	s21 =	simm.s32 $0x1A770;
	v8 =	vld [tilespmem:s31+$0xFFFFFFC0]  }
0x18b: {  	v11 =	vld [tilespmem:s21+$0x0]  }
0x18c: {  	v14 =	vld [tilespmem:s21+$0xFFFFFFA0]  }
0x18d: {  	v9 =	vld [tilespmem:s21+$0xFFFFFFB0]  }
0x18e: {  	v10 =	vld.idx.msk [tilespmem:v0+s3+$0x0], $0xffff  }
0x18f: {  	v12 =	vld.idx.msk [tilespmem:v1+s3+$0x0], $0xffff  }
0x190: {  	v4 =	vld.idx.msk [tilespmem:v2+s3+$0x0], $0xffff  }
0x191: {  	v3 =	vld.idx.msk [tilespmem:v3+s3+$0x0], $0xffff  }
0x192: {  	v13 =	vld.idx.msk [tilespmem:v8+s3+$0x0], $0xffff  }
0x193: {  	v1 =	vld.idx.msk [tilespmem:v7+s3+$0x0], $0xffff  }
0x194: {  	v7 =	vld [tilespmem:s21+$0xFFFFFF90]  }
0x195: {  	v2 =	vld.idx.msk [tilespmem:v5+s3+$0x0], $0xffff  }
0x196: {  	v0 =	vld.idx.msk [tilespmem:v6+s3+$0x0], $0xffff  }
0x197: {  	v8 =	vld [tilespmem:s21+$0xFFFFFFC0]  }
0x198: {  	v6 =	vld [tilespmem:s21+$0xFFFFFFD0];
	v10 =	vmul.f32 v11, v10  }
0x199: {  	v5 =	vld [tilespmem:s21+$0xFFFFFFE0];
	v11 =	vmul.f32 v7, v13  }
0x19a: {  	s22 =	simm.s32 $0x0;
	s23 =	simm.s32 $0x1C7C0;
	v7 =	vld [tilespmem:s21+$0xFFFFFFF0];
	[tilespmem:s21+$0x0] =	vst v10;
	v10 =	vmul.f32 v14, v12  }
.LBB2_16:
0x19b: {  	v12 =	vld [tilespmem:s23+$0x30];
	s22 =	sadd.s32 $0x8, s22;
	[tilespmem:s21+$0xFFFFFF90] =	vst v11;
	v4 =	vmul.f32 v9, v4  }
0x19c: {  	v9 =	vld [tilespmem:s23+$0xFFFFFFD0];
	p0 =	slt.u32 s22, $0x1F8;
	[tilespmem:s21+$0xFFFFFFA0] =	vst v10;
	v3 =	vmul.f32 v8, v3  }
0x19d: {  	v8 =	vld [tilespmem:s23+$0xFFFFFFE0];
	[tilespmem:s21+$0xFFFFFFB0] =	vst v4;
	v2 =	vmul.f32 v6, v2  }
0x19e: {  	v6 =	vld [tilespmem:s23+$0xFFFFFFF0];
	[tilespmem:s21+$0xFFFFFFC0] =	vst v3;
	v0 =	vmul.f32 v5, v0  }
0x19f: {  	v5 =	vld [tilespmem:s23+$0x0];
	[tilespmem:s21+$0xFFFFFFD0] =	vst v2;
	v1 =	vmul.f32 v7, v1  }
0x1a0: {  	v7 =	vld [tilespmem:s23+$0x10];
	[tilespmem:s21+$0xFFFFFFE0] =	vst v0  }
0x1a1: {  	v10 =	vld [tilespmem:s23+$0x20];
	[tilespmem:s21+$0xFFFFFFF0] =	vst v1  }
0x1a2: {  	v1 =	vld [tilespmem:s23+$0xFFFFFFC0]  }
0x1a3: {  	s21 =	sadd.s32 $0x80, s21;
	v11 =	vld.idx.msk [tilespmem:v12+s3+$0x0], $0xffff  }
0x1a4: {  	v12 =	vld [tilespmem:s21+$0x0]  }
0x1a5: {  	v13 =	vld.idx.msk [tilespmem:v9+s3+$0x0], $0xffff  }
0x1a6: {  	v4 =	vld.idx.msk [tilespmem:v8+s3+$0x0], $0xffff  }
0x1a7: {  	v3 =	vld.idx.msk [tilespmem:v6+s3+$0x0], $0xffff  }
0x1a8: {  	v2 =	vld.idx.msk [tilespmem:v5+s3+$0x0], $0xffff  }
0x1a9: {  	v0 =	vld.idx.msk [tilespmem:v7+s3+$0x0], $0xffff;
	v5 =	vmul.f32 v12, v11  }
0x1aa: {  	v7 =	vld.idx.msk [tilespmem:v1+s3+$0x0], $0xffff  }
0x1ab: {  	v1 =	vld.idx.msk [tilespmem:v10+s3+$0x0], $0xffff;
	[tilespmem:s21+$0x0] =	vst v5  }
0x1ac: {  	v5 =	vld [tilespmem:s21+$0xFFFFFF90]  }
0x1ad: {  	v10 =	vld [tilespmem:s21+$0xFFFFFFA0]  }
.Ltmp7:
0x1ae: {  	v9 =	vld [tilespmem:s21+$0xFFFFFFB0];
	(pc) =	sbr.rel @p0 .LBB2_16-.Ltmp7, $4  }
0x1af: {  	v8 =	vld [tilespmem:s21+$0xFFFFFFC0]  }
0x1b0: {  	v6 =	vld [tilespmem:s21+$0xFFFFFFD0]  }
0x1b1: {  	v11 =	vmul.f32 v5, v7;
	v5 =	vld [tilespmem:s21+$0xFFFFFFE0]  }
0x1b2: {  	s23 =	sadd.s32 $0x80, s23;
	v10 =	vmul.f32 v10, v13;
	v7 =	vld [tilespmem:s21+$0xFFFFFFF0]  }
0x1b3: {  	[tilespmem:s21+$0xFFFFFF90] =	vst v11;
	v4 =	vmul.f32 v9, v4  }
0x1b4: {  	[tilespmem:s21+$0xFFFFFFA0] =	vst v10;
	v3 =	vmul.f32 v8, v3  }
0x1b5: {  	[tilespmem:s21+$0xFFFFFFB0] =	vst v4;
	v2 =	vmul.f32 v6, v2  }
0x1b6: {  	[tilespmem:s21+$0xFFFFFFC0] =	vst v3;
	v0 =	vmul.f32 v5, v0  }
0x1b7: {  	s20 =	sadd.s32 $0x1, s20;
	[tilespmem:s21+$0xFFFFFFD0] =	vst v2;
	v1 =	vmul.f32 v7, v1  }
0x1b8: {  	p0 =	sne.s32 s20, s13;
	[tilespmem:s21+$0xFFFFFFE0] =	vst v0  }
.Ltmp8:
0x1b9: {  	[tilespmem:s21+$0xFFFFFFF0] =	vst v1;
	(pc) =	sbr.rel @p0 .LBB2_1-.Ltmp8, $4  }
0x1ba: {  	[hbm4b:s12+s14] =	stream.strided.scatter [tilespmem:s19], [sflag:$0x1], $0x4000, s15, s14, $0x38;
	[tilespmem:$0x1E700] =	vst v63  }
0x1bb: {  	_ =	swait.ge [sflag:s16], $0x4000  }
0x1bc: {  	[sflag:s16] =	ssyncset.done $0x0  }
0x1bd: {  	[sflag:s16] =	ssyncadd.s32 $0xFFFFC000  }
0x1be: {  	_ =	sfence.sel $0x180000  }
0x1bf: {  	[bflag:$0x0] =	sbarrier.arrive $0xFFFF  }
0x1c0: {  	p0 =	sne.s32 s0, $0x0;
	_ =	strace $0x90000047  }
0x1c1: {  	s0 =	sadd.s32 @!p0 $0x100000, s2;
	[bflag:$0x2] =	sbarrier.arrive $0xFFFF  }
0x1c2: {  	[sflag:s0] =	ssyncadd.tile.s32 @!p0 $0x1;
	_ =	shalt  }
.Lfunc_end2:
_tile_overlayer_lowered:
.L_overlay_start_2:
0x1c3: {  	(tag) =	ssettag $0x2  }
0x1c4: {  	s0 =	rddreg [dreg:$0x0];
	s2 =	stileid.u32  }
0x1c5: {  	s1 =	rddreg [dreg:$0x1];
	p0 =	sne.s32 s2, $0x0  }
0x1c6: {  	s3 =	rddreg [dreg:$0x2];
	[bflag:$0x3] =	sbarrier.arrive $0xFFFF;
	s2 =	simm.s32 @!p0 $0x1C01  }
0x1c7: {  	[timem:s3], [sflag:s2] =	dma.local @!p0 [hbm:s0], s1  }
0x1c8: {  	s0 =	simm.s32 @!p0 $0x1  }
0x1c9: {  	_ =	swait.ge @!p0 [sflag:s0], s1  }
0x1ca: {  	s1 =	ssub.s32 @!p0 $0x0, s1;
	[sflag:s0] =	ssyncset.done @!p0 $0x0  }
0x1cb: {  	[sflag:s0] =	ssyncadd.s32 @!p0 s1  }
0x1cc: {  	[bflag:$0x3] =	sbarrier.arrive $0xFFFF  }
0x1cd: {  	_ =	shalt  }

</sc_bundles>
